<compile_context>
chip_gen: v7x
topology: tpu7x:2x2x1
jax: 0.10.2.dev20260603
libtpu: 0.0.44.dev20260713+nightly
codegen_flags: <defaults>
</compile_context>

<pallas_src>
import functools
import math

import jax
import jax.numpy as jnp
from jax.experimental import pallas as pl
from jax.experimental.pallas import tpu as pltpu
from jax.experimental.pallas import tpu_sc as plsc

_BATCH = 16
_SEQ = 24
_N = 512
_D = 128
_FEAT = 8
_TAU = 3
_K = 8
_BIG = 3.0e38


def _dotT(a, b):
    return jax.lax.dot_general(a, b, (((1,), (1,)), ((), ())),
                               preferred_element_type=jnp.float32)


def _dot(a, b):
    return jax.lax.dot_general(a, b, (((1,), (0,)), ((), ())),
                               preferred_element_type=jnp.float32)


def _lane_bcast(v, jj):
    dnums = jax.lax.GatherDimensionNumbers(
        offset_dims=(), collapsed_slice_dims=(0,), start_index_map=(0,))
    idx = jnp.full((16, 1), jj, jnp.int32)
    return jax.lax.gather(v, idx, dnums, (1,),
                          mode=jax.lax.GatherScatterMode.PROMISE_IN_BOUNDS)


_NC = 2
_NS = 16
_ROWS_PER_TILE = _BATCH * _N // (_NC * _NS)


@functools.partial(
    pl.kernel,
    out_type=jax.ShapeDtypeStruct((_BATCH * _N,), jnp.float32),
    mesh=plsc.VectorSubcoreMesh(core_axis_name="c", subcore_axis_name="s",
                                num_cores=_NC),
    scratch_types=[
        pltpu.VMEM((_ROWS_PER_TILE,), jnp.float32),
        pltpu.VMEM((_ROWS_PER_TILE,), jnp.float32),
        pltpu.VMEM((_N,), jnp.float32),
        pltpu.VMEM((_N,), jnp.float32),
        pltpu.VMEM((_ROWS_PER_TILE,), jnp.float32),
    ],
)
def _sc_knn(wx_hbm, wy_hbm, out_hbm,
            wxr_v, wyr_v, wxc_v, wyc_v, tau_v):
    c = jax.lax.axis_index("c")
    s = jax.lax.axis_index("s")
    wid = s * _NC + c
    base = wid * _ROWS_PER_TILE
    bbase = (wid // _NC) * _N
    pltpu.sync_copy(wx_hbm.at[pl.ds(base, _ROWS_PER_TILE)], wxr_v)
    pltpu.sync_copy(wy_hbm.at[pl.ds(base, _ROWS_PER_TILE)], wyr_v)
    pltpu.sync_copy(wx_hbm.at[pl.ds(bbase, _N)], wxc_v)
    pltpu.sync_copy(wy_hbm.at[pl.ds(bbase, _N)], wyc_v)

    def group(g, _):
        wxg = wxr_v[pl.ds(g * 16, 16)]
        wyg = wyr_v[pl.ds(g * 16, 16)]

        def chunk(ci, r):
            cvx = wxc_v[pl.ds(ci * 16, 16)]
            cvy = wyc_v[pl.ds(ci * 16, 16)]
            for jj in range(16):
                dx = wxg - _lane_bcast(cvx, jj)
                dy = wyg - _lane_bcast(cvy, jj)
                hi = dx * dx + dy * dy
                out = []
                for i in range(_K):
                    lo = jnp.minimum(r[i], hi)
                    hi = jnp.maximum(r[i], hi)
                    out.append(lo)
                r = tuple(out)
            return r

        init = tuple(jnp.full((16,), _BIG, jnp.float32) for _ in range(_K))
        r = jax.lax.fori_loop(0, _N // 16, chunk, init)
        tau_v[pl.ds(g * 16, 16)] = r[_K - 1]
        return 0

    jax.lax.fori_loop(0, _ROWS_PER_TILE // 16, group, 0)
    pltpu.sync_copy(tau_v, out_hbm.at[pl.ds(base, _ROWS_PER_TILE)])


def _body(h0_ref, h1_ref, h2_ref, wcol_ref, wrow_ref,
          wq_ref, wk_ref, wv_ref, w1_ref, w2_ref,
          bq_ref, bv_ref, b1_ref, b2_ref,
          out_ref):
    wc = wcol_ref[0]
    wr = wrow_ref[0]
    wxc = jax.lax.broadcast_in_dim(wc[:, 0:1], (_N, _N), (0, 1))
    wyc = jax.lax.broadcast_in_dim(wc[:, 1:2], (_N, _N), (0, 1))
    wxr = jax.lax.broadcast_in_dim(wr[0:1, :], (_N, _N), (0, 1))
    wyr = jax.lax.broadcast_in_dim(wr[1:2, :], (_N, _N), (0, 1))
    dx = wxc - wxr
    dy = wyc - wyr
    d2 = dx * dx + dy * dy

    tauc = jax.lax.broadcast_in_dim(wc[:, 2:3], (_N, _N), (0, 1))
    mask = d2 <= tauc

    he_last = h2_ref[0, 0]
    q = _dotT(he_last, wq_ref[...]) + bq_ref[...]
    qk = _dot(q, wk_ref[...]).astype(jnp.bfloat16)

    inv = 1.0 / math.sqrt(_D)
    den = jnp.zeros((_N, 1), jnp.float32)
    ctx = jnp.zeros((_N, _D), jnp.float32)
    for h_ref in (h0_ref, h1_ref, h2_ref):
        h_t = h_ref[0, 0].astype(jnp.bfloat16)
        s_t = _dotT(qk, h_t)
        e_t = jnp.where(mask, jnp.exp(s_t * inv), 0.0)
        den = den + jnp.sum(e_t, axis=1, keepdims=True)
        ctx = ctx + _dot(e_t.astype(jnp.bfloat16), h_t)
    ctx = ctx / den

    ctx = _dotT(ctx, wv_ref[...]) + bv_ref[...]
    h1 = _dotT(ctx, w1_ref[...]) + b1_ref[...]
    g = 0.5 * h1 * (1.0 + jnp.tanh(0.7978845608028654 *
                                   (h1 + 0.044715 * h1 * h1 * h1)))
    out_ref[0] = _dotT(g, w2_ref[...]) + b2_ref[...]


@jax.jit
def kernel(h_e, x_orig, Wq, bq, Wk, bk, Wv, bv, W1, b1, W2, b2):
    b, seq_len, n, d = h_e.shape
    t0 = seq_len - 1
    t_start = t0 - _TAU + 1

    last_wind = x_orig[t0, :, :, 4:6]
    tau = _sc_knn(last_wind[:, :, 0].reshape(-1), last_wind[:, :, 1].reshape(-1))
    wcol = jnp.concatenate(
        [last_wind, tau.reshape(b, n, 1),
         jnp.zeros((b, n, _FEAT - 3), jnp.float32)], axis=-1)
    wrow = jnp.pad(jnp.transpose(last_wind, (0, 2, 1)), ((0, 0), (0, 6), (0, 0)))

    full = lambda shape: pl.BlockSpec(shape, lambda i: (0,) * len(shape))
    h_t_spec = lambda t: pl.BlockSpec((1, 1, n, d), lambda i, t=t: (i, t, 0, 0))

    out = pl.pallas_call(
        _body,
        grid=(b,),
        in_specs=[
            h_t_spec(t_start), h_t_spec(t_start + 1), h_t_spec(t0),
            pl.BlockSpec((1, n, _FEAT), lambda i: (i, 0, 0)),
            pl.BlockSpec((1, 8, n), lambda i: (i, 0, 0)),
            full((d, d)), full((d, d)), full((d, d)), full((d, d)), full((d, d)),
            full((1, d)), full((1, d)), full((1, d)), full((1, d)),
        ],
        out_specs=pl.BlockSpec((1, n, d), lambda i: (i, 0, 0)),
        out_shape=jax.ShapeDtypeStruct((b, n, d), jnp.float32),
    )(h_e, h_e, h_e, wcol, wrow, Wq, Wk, Wv, W1, W2,
      bq.reshape(1, d), bv.reshape(1, d), b1.reshape(1, d), b2.reshape(1, d))
    return out

# --- scband reference (transcript-rebuilt; emitter-appended) ---
"""Pipeline reference for scband-model-54434415509791 (READ-ONLY COPY).

The authoritative reference and input builder live on the scoring server;
editing this copy changes nothing except your own understanding.
"""

import jax, jax.numpy as jnp
import numpy as np
import math

BATCH = 16
SEQ_LEN = 24
NUM_NODES = 512
D_MODEL = 128
FEAT = 8
TAU = 3
K_NEIGHBORS = 8


def setup_inputs(seed: int = 0) -> dict:
    key = jax.random.key(seed)
    ks = jax.random.split(key, 12)
    s = 0.05
    inp = {
        "h_e": jax.random.normal(ks[0], (BATCH, SEQ_LEN, NUM_NODES, D_MODEL), dtype=jnp.float32),
        "x_orig": jax.random.normal(ks[1], (SEQ_LEN, BATCH, NUM_NODES, FEAT), dtype=jnp.float32),
        "Wq": jax.random.normal(ks[2], (D_MODEL, D_MODEL), dtype=jnp.float32) * s,
        "bq": jnp.zeros((D_MODEL,), dtype=jnp.float32),
        "Wk": jax.random.normal(ks[3], (D_MODEL, D_MODEL), dtype=jnp.float32) * s,
        "bk": jnp.zeros((D_MODEL,), dtype=jnp.float32),
        "Wv": jax.random.normal(ks[4], (D_MODEL, D_MODEL), dtype=jnp.float32) * s,
        "bv": jnp.zeros((D_MODEL,), dtype=jnp.float32),
        "W1": jax.random.normal(ks[5], (D_MODEL, D_MODEL), dtype=jnp.float32) * s,
        "b1": jnp.zeros((D_MODEL,), dtype=jnp.float32),
        "W2": jax.random.normal(ks[6], (D_MODEL, D_MODEL), dtype=jnp.float32) * s,
        "b2": jnp.zeros((D_MODEL,), dtype=jnp.float32),
    }
    return inp


def reference(h_e, x_orig, Wq, bq, Wk, bk, Wv, bv, W1, b1, W2, b2):
    batch_size, seq_len, num_nodes, d_model = h_e.shape
    # x_orig is 4-D: [seq, batch, nodes, feat] -> permute(1,0,2,3)
    x_reshape = jnp.transpose(x_orig, (1, 0, 2, 3))
    wind_vars = x_reshape[:, :, :, 4:6]
    last_wind = wind_vars[:, -1]
    b, n, _ = last_wind.shape
    wind_flat = last_wind.reshape(b, n, -1)
    # torch.cdist (p=2)
    diff = wind_flat[:, :, None, :] - wind_flat[:, None, :, :]
    dist = jnp.sqrt(jnp.sum(diff * diff, axis=-1) + 1e-12)
    sim = -dist
    k = min(K_NEIGHBORS, n)
    _, topk_idx = jax.lax.top_k(sim, k)  # [b, n, k]
    t0 = seq_len - 1
    t_start = max(0, t0 - TAU + 1)
    hist = jnp.transpose(h_e[:, t_start:t0 + 1], (0, 2, 1, 3))  # [b, n, tau_eff, d]
    tau_eff = hist.shape[2]
    # neighbor gather: hist[batch_idx, topk_idx] -> [b, n, k, tau_eff, d]
    neighbor_hist = jax.vmap(lambda h, idx: h[idx])(hist, topk_idx)
    neighbor_hist = neighbor_hist.reshape(b, n, k * tau_eff, d_model)
    q = h_e[:, t0] @ Wq.T + bq
    q = q[:, :, None, :]
    k_feat = neighbor_hist @ Wk.T + bk
    v_feat = neighbor_hist @ Wv.T + bv
    scale = math.sqrt(d_model)
    attn_scores = jnp.sum(q * k_feat, axis=-1) / scale
    attn_weights = jax.nn.softmax(attn_scores, axis=-1)[..., None]
    context = jnp.sum(attn_weights * v_feat, axis=2)
    h = context @ W1.T + b1
    h = jax.nn.gelu(h, approximate=False)
    h_l = h @ W2.T + b2
    return h_l

if __name__ == "__main__":
    import jax
    _d = setup_inputs()
    print(jax.jit(kernel)(*tuple(_d.values())))

</pallas_src>

<mosaic_0001>
#map = affine_map<(d0, d1) -> (0)>
module attributes {stable_mosaic.version = 14 : i64} {
  func.func @_sc_knn(%arg0: i32, %arg1: i32, %arg2: memref<8192xf32, #tpu.memory_space<hbm>>, %arg3: memref<8192xf32, #tpu.memory_space<hbm>>, %arg4: memref<8192xf32, #tpu.memory_space<hbm>>, %arg5: memref<256xf32, #tpu.memory_space<vmem>>, %arg6: memref<256xf32, #tpu.memory_space<vmem>>, %arg7: memref<512xf32, #tpu.memory_space<vmem>>, %arg8: memref<512xf32, #tpu.memory_space<vmem>>, %arg9: memref<256xf32, #tpu.memory_space<vmem>>) attributes {dimension_semantics = [#tpu.dimension_semantics<core_parallel>, #tpu.dimension_semantics<subcore_parallel>], iteration_bounds = array<i64: 2, 16>, scalar_prefetch = 0 : i64, scratch_operands = 5 : i64, tpu.core_type = #tpu.core_type<sc_vector_subcore>, window_params = [{transform_indices = #map}, {transform_indices = #map}, {transform_indices = #map}]} {
    %mul3A = arith.constant 2 : i32
    %mul3A_0 = arith.muli %arg1, %mul3A : i32
    %add3A = arith.addi %mul3A_0, %arg0 : i32
    %mul3A_1 = arith.constant 256 : i32
    %mul3A_2 = arith.muli %add3A, %mul3A_1 : i32
    %jit3A = arith.constant 2 : i32
    %div3A = arith.divsi %add3A, %jit3A : i32
    %sign3A = arith.constant 0 : i32
    %sign3A_3 = arith.cmpi sgt, %add3A, %sign3A : i32
    %sign3A_4 = arith.extui %sign3A_3 : i1 to i32
    %sign3A_5 = arith.constant 0 : i32
    %sign3A_6 = arith.cmpi slt, %add3A, %sign3A_5 : i32
    %sign3A_7 = arith.extui %sign3A_6 : i1 to i32
    %sign3A_8 = arith.subi %sign3A_4, %sign3A_7 : i32
    %sign3A_9 = arith.constant 0 : i32
    %sign3A_10 = arith.cmpi sgt, %jit3A, %sign3A_9 : i32
    %sign3A_11 = arith.extui %sign3A_10 : i1 to i32
    %sign3A_12 = arith.constant 0 : i32
    %sign3A_13 = arith.cmpi slt, %jit3A, %sign3A_12 : i32
    %sign3A_14 = arith.extui %sign3A_13 : i1 to i32
    %sign3A_15 = arith.subi %sign3A_11, %sign3A_14 : i32
    %ne3A = arith.cmpi ne, %sign3A_8, %sign3A_15 : i32
    %rem3A = arith.remsi %add3A, %jit3A : i32
    %ne3A_16 = arith.constant 0 : i32
    %ne3A_17 = arith.cmpi ne, %rem3A, %ne3A_16 : i32
    %and3A = arith.andi %ne3A, %ne3A_17 : i1
    %sub3A = arith.constant 1 : i32
    %sub3A_18 = arith.subi %div3A, %sub3A : i32
    %select_n3A = arith.select %and3A, %sub3A_18, %div3A : i32
    %mul3A_19 = arith.constant 512 : i32
    %mul3A_20 = arith.muli %select_n3A, %mul3A_19 : i32
    "tpu.region"() ({
      %run_scoped3A = tpu.sem_alloc : memref<!tpu.dma_semaphore, #tpu.memory_space<semaphore_mem>>
      %dma_start3A = tpu.memref_slice %arg2[%mul3A_2] : memref<8192xf32, #tpu.memory_space<hbm>> -> memref<256xf32, #tpu.memory_space<hbm>>
      %dma_start3A_27 = tpu.memref_slice %arg2[%mul3A_2] : memref<8192xf32, #tpu.memory_space<hbm>> -> memref<256xf32, #tpu.memory_space<hbm>>
      tpu.enqueue_dma source(%dma_start3A_27 : memref<256xf32, #tpu.memory_space<hbm>>) target(%arg5 : memref<256xf32, #tpu.memory_space<vmem>>) target_semaphore(%run_scoped3A : memref<!tpu.dma_semaphore, #tpu.memory_space<semaphore_mem>>)
      %dma_wait3A = tpu.memref_slice %arg2[%mul3A_2] : memref<8192xf32, #tpu.memory_space<hbm>> -> memref<256xf32, #tpu.memory_space<hbm>>
      %dma_wait3A_28 = tpu.memref_slice %arg2[%mul3A_2] : memref<8192xf32, #tpu.memory_space<hbm>> -> memref<256xf32, #tpu.memory_space<hbm>>
      tpu.wait_dma2 semaphore(%run_scoped3A : memref<!tpu.dma_semaphore, #tpu.memory_space<semaphore_mem>>) src(%dma_wait3A_28 : memref<256xf32, #tpu.memory_space<hbm>>) dst(%arg5 : memref<256xf32, #tpu.memory_space<vmem>>)
      tpu.yield
    }) : () -> ()
    "tpu.region"() ({
      %run_scoped3A = tpu.sem_alloc : memref<!tpu.dma_semaphore, #tpu.memory_space<semaphore_mem>>
      %dma_start3A = tpu.memref_slice %arg3[%mul3A_2] : memref<8192xf32, #tpu.memory_space<hbm>> -> memref<256xf32, #tpu.memory_space<hbm>>
      %dma_start3A_27 = tpu.memref_slice %arg3[%mul3A_2] : memref<8192xf32, #tpu.memory_space<hbm>> -> memref<256xf32, #tpu.memory_space<hbm>>
      tpu.enqueue_dma source(%dma_start3A_27 : memref<256xf32, #tpu.memory_space<hbm>>) target(%arg6 : memref<256xf32, #tpu.memory_space<vmem>>) target_semaphore(%run_scoped3A : memref<!tpu.dma_semaphore, #tpu.memory_space<semaphore_mem>>)
      %dma_wait3A = tpu.memref_slice %arg3[%mul3A_2] : memref<8192xf32, #tpu.memory_space<hbm>> -> memref<256xf32, #tpu.memory_space<hbm>>
      %dma_wait3A_28 = tpu.memref_slice %arg3[%mul3A_2] : memref<8192xf32, #tpu.memory_space<hbm>> -> memref<256xf32, #tpu.memory_space<hbm>>
      tpu.wait_dma2 semaphore(%run_scoped3A : memref<!tpu.dma_semaphore, #tpu.memory_space<semaphore_mem>>) src(%dma_wait3A_28 : memref<256xf32, #tpu.memory_space<hbm>>) dst(%arg6 : memref<256xf32, #tpu.memory_space<vmem>>)
      tpu.yield
    }) : () -> ()
    "tpu.region"() ({
      %run_scoped3A = tpu.sem_alloc : memref<!tpu.dma_semaphore, #tpu.memory_space<semaphore_mem>>
      %dma_start3A = tpu.memref_slice %arg2[%mul3A_20] : memref<8192xf32, #tpu.memory_space<hbm>> -> memref<512xf32, #tpu.memory_space<hbm>>
      %dma_start3A_27 = tpu.memref_slice %arg2[%mul3A_20] : memref<8192xf32, #tpu.memory_space<hbm>> -> memref<512xf32, #tpu.memory_space<hbm>>
      tpu.enqueue_dma source(%dma_start3A_27 : memref<512xf32, #tpu.memory_space<hbm>>) target(%arg7 : memref<512xf32, #tpu.memory_space<vmem>>) target_semaphore(%run_scoped3A : memref<!tpu.dma_semaphore, #tpu.memory_space<semaphore_mem>>)
      %dma_wait3A = tpu.memref_slice %arg2[%mul3A_20] : memref<8192xf32, #tpu.memory_space<hbm>> -> memref<512xf32, #tpu.memory_space<hbm>>
      %dma_wait3A_28 = tpu.memref_slice %arg2[%mul3A_20] : memref<8192xf32, #tpu.memory_space<hbm>> -> memref<512xf32, #tpu.memory_space<hbm>>
      tpu.wait_dma2 semaphore(%run_scoped3A : memref<!tpu.dma_semaphore, #tpu.memory_space<semaphore_mem>>) src(%dma_wait3A_28 : memref<512xf32, #tpu.memory_space<hbm>>) dst(%arg7 : memref<512xf32, #tpu.memory_space<vmem>>)
      tpu.yield
    }) : () -> ()
    "tpu.region"() ({
      %run_scoped3A = tpu.sem_alloc : memref<!tpu.dma_semaphore, #tpu.memory_space<semaphore_mem>>
      %dma_start3A = tpu.memref_slice %arg3[%mul3A_20] : memref<8192xf32, #tpu.memory_space<hbm>> -> memref<512xf32, #tpu.memory_space<hbm>>
      %dma_start3A_27 = tpu.memref_slice %arg3[%mul3A_20] : memref<8192xf32, #tpu.memory_space<hbm>> -> memref<512xf32, #tpu.memory_space<hbm>>
      tpu.enqueue_dma source(%dma_start3A_27 : memref<512xf32, #tpu.memory_space<hbm>>) target(%arg8 : memref<512xf32, #tpu.memory_space<vmem>>) target_semaphore(%run_scoped3A : memref<!tpu.dma_semaphore, #tpu.memory_space<semaphore_mem>>)
      %dma_wait3A = tpu.memref_slice %arg3[%mul3A_20] : memref<8192xf32, #tpu.memory_space<hbm>> -> memref<512xf32, #tpu.memory_space<hbm>>
      %dma_wait3A_28 = tpu.memref_slice %arg3[%mul3A_20] : memref<8192xf32, #tpu.memory_space<hbm>> -> memref<512xf32, #tpu.memory_space<hbm>>
      tpu.wait_dma2 semaphore(%run_scoped3A : memref<!tpu.dma_semaphore, #tpu.memory_space<semaphore_mem>>) src(%dma_wait3A_28 : memref<512xf32, #tpu.memory_space<hbm>>) dst(%arg8 : memref<512xf32, #tpu.memory_space<vmem>>)
      tpu.yield
    }) : () -> ()
    %scan3A = arith.constant 0 : i32
    %scan3A_21 = arith.constant 0 : i32
    %scan3A_22 = arith.constant 16 : i32
    %scan3A_23 = arith.addi %scan3A_21, %scan3A_22 : i32
    %scan3A_24 = arith.constant 1 : i32
    %scan3A_25 = scf.for %scan3A_27 = %scan3A_21 to %scan3A_23 step %scan3A_24 iter_args(%scan3A_28 = %scan3A) -> (i32)  : i32 {
      %mul3A_29 = arith.constant 16 : i32
      %mul3A_30 = arith.muli %scan3A_27, %mul3A_29 : i32
      %get3A = arith.index_cast %mul3A_30 : i32 to index
      %get3A_31 = tpu.vector_load %arg5[%get3A] {strides = array<i32>} : memref<256xf32, #tpu.memory_space<vmem>>, vector<16xf32>,
      %get3A_32 = vector.shape_cast %get3A_31 : vector<16xf32> to vector<16xf32>
      %mul3A_33 = arith.constant 16 : i32
      %mul3A_34 = arith.muli %scan3A_27, %mul3A_33 : i32
      %get3A_35 = arith.index_cast %mul3A_34 : i32 to index
      %get3A_36 = tpu.vector_load %arg6[%get3A_35] {strides = array<i32>} : memref<256xf32, #tpu.memory_space<vmem>>, vector<16xf32>,
      %get3A_37 = vector.shape_cast %get3A_36 : vector<16xf32> to vector<16xf32>
      %broadcast_in_dim3A = arith.constant 3.000000e+38 : f32
      %broadcast_in_dim3A_38 = vector.broadcast %broadcast_in_dim3A : f32 to vector<16xf32>
      %broadcast_in_dim3A_39 = arith.constant 3.000000e+38 : f32
      %broadcast_in_dim3A_40 = vector.broadcast %broadcast_in_dim3A_39 : f32 to vector<16xf32>
      %broadcast_in_dim3A_41 = arith.constant 3.000000e+38 : f32
      %broadcast_in_dim3A_42 = vector.broadcast %broadcast_in_dim3A_41 : f32 to vector<16xf32>
      %broadcast_in_dim3A_43 = arith.constant 3.000000e+38 : f32
      %broadcast_in_dim3A_44 = vector.broadcast %broadcast_in_dim3A_43 : f32 to vector<16xf32>
      %broadcast_in_dim3A_45 = arith.constant 3.000000e+38 : f32
      %broadcast_in_dim3A_46 = vector.broadcast %broadcast_in_dim3A_45 : f32 to vector<16xf32>
      %broadcast_in_dim3A_47 = arith.constant 3.000000e+38 : f32
      %broadcast_in_dim3A_48 = vector.broadcast %broadcast_in_dim3A_47 : f32 to vector<16xf32>
      %broadcast_in_dim3A_49 = arith.constant 3.000000e+38 : f32
      %broadcast_in_dim3A_50 = vector.broadcast %broadcast_in_dim3A_49 : f32 to vector<16xf32>
      %broadcast_in_dim3A_51 = arith.constant 3.000000e+38 : f32
      %broadcast_in_dim3A_52 = vector.broadcast %broadcast_in_dim3A_51 : f32 to vector<16xf32>
      %scan3A_53 = arith.constant 0 : i32
      %scan3A_54 = arith.constant 32 : i32
      %scan3A_55 = arith.addi %scan3A_53, %scan3A_54 : i32
      %scan3A_56 = arith.constant 1 : i32
      %scan3A_57:8 = scf.for %scan3A_65 = %scan3A_53 to %scan3A_55 step %scan3A_56 iter_args(%scan3A_66 = %broadcast_in_dim3A_38, %scan3A_67 = %broadcast_in_dim3A_40, %scan3A_68 = %broadcast_in_dim3A_42, %scan3A_69 = %broadcast_in_dim3A_44, %scan3A_70 = %broadcast_in_dim3A_46, %scan3A_71 = %broadcast_in_dim3A_48, %scan3A_72 = %broadcast_in_dim3A_50, %scan3A_73 = %broadcast_in_dim3A_52) -> (vector<16xf32>, vector<16xf32>, vector<16xf32>, vector<16xf32>, vector<16xf32>, vector<16xf32>, vector<16xf32>, vector<16xf32>)  : i32 {
        %mul3A_74 = arith.constant 16 : i32
        %mul3A_75 = arith.muli %scan3A_65, %mul3A_74 : i32
        %get3A_76 = arith.index_cast %mul3A_75 : i32 to index
        %get3A_77 = tpu.vector_load %arg7[%get3A_76] {strides = array<i32>} : memref<512xf32, #tpu.memory_space<vmem>>, vector<16xf32>,
        %get3A_78 = vector.shape_cast %get3A_77 : vector<16xf32> to vector<16xf32>
        %mul3A_79 = arith.constant 16 : i32
        %mul3A_80 = arith.muli %scan3A_65, %mul3A_79 : i32
        %get3A_81 = arith.index_cast %mul3A_80 : i32 to index
        %get3A_82 = tpu.vector_load %arg8[%get3A_81] {strides = array<i32>} : memref<512xf32, #tpu.memory_space<vmem>>, vector<16xf32>,
        %get3A_83 = vector.shape_cast %get3A_82 : vector<16xf32> to vector<16xf32>
        %broadcast_in_dim3A_84 = arith.constant 0 : i32
        %broadcast_in_dim3A_85 = vector.broadcast %broadcast_in_dim3A_84 : i32 to vector<16x1xi32>
        %gather3A = vector.shape_cast %broadcast_in_dim3A_85 : vector<16x1xi32> to vector<16xi32>
        %gather3A_86 = tpu.dynamic_gather %get3A_78[%gather3A] in [0] : vector<16xf32>, vector<16xi32> -> vector<16xf32>
        %sub3A_87 = arith.subf %get3A_32, %gather3A_86 : vector<16xf32>
        %broadcast_in_dim3A_88 = arith.constant 0 : i32
        %broadcast_in_dim3A_89 = vector.broadcast %broadcast_in_dim3A_88 : i32 to vector<16x1xi32>
        %gather3A_90 = vector.shape_cast %broadcast_in_dim3A_89 : vector<16x1xi32> to vector<16xi32>
        %gather3A_91 = tpu.dynamic_gather %get3A_83[%gather3A_90] in [0] : vector<16xf32>, vector<16xi32> -> vector<16xf32>
        %sub3A_92 = arith.subf %get3A_37, %gather3A_91 : vector<16xf32>
        %mul3A_93 = arith.mulf %sub3A_87, %sub3A_87 : vector<16xf32>
        %mul3A_94 = arith.mulf %sub3A_92, %sub3A_92 : vector<16xf32>
        %add3A_95 = arith.addf %mul3A_93, %mul3A_94 : vector<16xf32>
        %min3A = arith.minimumf %scan3A_66, %add3A_95 : vector<16xf32>
        %max3A = arith.maximumf %scan3A_66, %add3A_95 : vector<16xf32>
        %min3A_96 = arith.minimumf %scan3A_67, %max3A : vector<16xf32>
        %max3A_97 = arith.maximumf %scan3A_67, %max3A : vector<16xf32>
        %min3A_98 = arith.minimumf %scan3A_68, %max3A_97 : vector<16xf32>
        %max3A_99 = arith.maximumf %scan3A_68, %max3A_97 : vector<16xf32>
        %min3A_100 = arith.minimumf %scan3A_69, %max3A_99 : vector<16xf32>
        %max3A_101 = arith.maximumf %scan3A_69, %max3A_99 : vector<16xf32>
        %min3A_102 = arith.minimumf %scan3A_70, %max3A_101 : vector<16xf32>
        %max3A_103 = arith.maximumf %scan3A_70, %max3A_101 : vector<16xf32>
        %min3A_104 = arith.minimumf %scan3A_71, %max3A_103 : vector<16xf32>
        %max3A_105 = arith.maximumf %scan3A_71, %max3A_103 : vector<16xf32>
        %min3A_106 = arith.minimumf %scan3A_72, %max3A_105 : vector<16xf32>
        %max3A_107 = arith.maximumf %scan3A_72, %max3A_105 : vector<16xf32>
        %min3A_108 = arith.minimumf %scan3A_73, %max3A_107 : vector<16xf32>
        %max3A_109 = arith.maximumf %scan3A_73, %max3A_107 : vector<16xf32>
        %broadcast_in_dim3A_110 = arith.constant 1 : i32
        %broadcast_in_dim3A_111 = vector.broadcast %broadcast_in_dim3A_110 : i32 to vector<16x1xi32>
        %gather3A_112 = vector.shape_cast %broadcast_in_dim3A_111 : vector<16x1xi32> to vector<16xi32>
        %gather3A_113 = tpu.dynamic_gather %get3A_78[%gather3A_112] in [0] : vector<16xf32>, vector<16xi32> -> vector<16xf32>
        %sub3A_114 = arith.subf %get3A_32, %gather3A_113 : vector<16xf32>
        %broadcast_in_dim3A_115 = arith.constant 1 : i32
        %broadcast_in_dim3A_116 = vector.broadcast %broadcast_in_dim3A_115 : i32 to vector<16x1xi32>
        %gather3A_117 = vector.shape_cast %broadcast_in_dim3A_116 : vector<16x1xi32> to vector<16xi32>
        %gather3A_118 = tpu.dynamic_gather %get3A_83[%gather3A_117] in [0] : vector<16xf32>, vector<16xi32> -> vector<16xf32>
        %sub3A_119 = arith.subf %get3A_37, %gather3A_118 : vector<16xf32>
        %mul3A_120 = arith.mulf %sub3A_114, %sub3A_114 : vector<16xf32>
        %mul3A_121 = arith.mulf %sub3A_119, %sub3A_119 : vector<16xf32>
        %add3A_122 = arith.addf %mul3A_120, %mul3A_121 : vector<16xf32>
        %min3A_123 = arith.minimumf %min3A, %add3A_122 : vector<16xf32>
        %max3A_124 = arith.maximumf %min3A, %add3A_122 : vector<16xf32>
        %min3A_125 = arith.minimumf %min3A_96, %max3A_124 : vector<16xf32>
        %max3A_126 = arith.maximumf %min3A_96, %max3A_124 : vector<16xf32>
        %min3A_127 = arith.minimumf %min3A_98, %max3A_126 : vector<16xf32>
        %max3A_128 = arith.maximumf %min3A_98, %max3A_126 : vector<16xf32>
        %min3A_129 = arith.minimumf %min3A_100, %max3A_128 : vector<16xf32>
        %max3A_130 = arith.maximumf %min3A_100, %max3A_128 : vector<16xf32>
        %min3A_131 = arith.minimumf %min3A_102, %max3A_130 : vector<16xf32>
        %max3A_132 = arith.maximumf %min3A_102, %max3A_130 : vector<16xf32>
        %min3A_133 = arith.minimumf %min3A_104, %max3A_132 : vector<16xf32>
        %max3A_134 = arith.maximumf %min3A_104, %max3A_132 : vector<16xf32>
        %min3A_135 = arith.minimumf %min3A_106, %max3A_134 : vector<16xf32>
        %max3A_136 = arith.maximumf %min3A_106, %max3A_134 : vector<16xf32>
        %min3A_137 = arith.minimumf %min3A_108, %max3A_136 : vector<16xf32>
        %max3A_138 = arith.maximumf %min3A_108, %max3A_136 : vector<16xf32>
        %broadcast_in_dim3A_139 = arith.constant 2 : i32
        %broadcast_in_dim3A_140 = vector.broadcast %broadcast_in_dim3A_139 : i32 to vector<16x1xi32>
        %gather3A_141 = vector.shape_cast %broadcast_in_dim3A_140 : vector<16x1xi32> to vector<16xi32>
        %gather3A_142 = tpu.dynamic_gather %get3A_78[%gather3A_141] in [0] : vector<16xf32>, vector<16xi32> -> vector<16xf32>
        %sub3A_143 = arith.subf %get3A_32, %gather3A_142 : vector<16xf32>
        %broadcast_in_dim3A_144 = arith.constant 2 : i32
        %broadcast_in_dim3A_145 = vector.broadcast %broadcast_in_dim3A_144 : i32 to vector<16x1xi32>
        %gather3A_146 = vector.shape_cast %broadcast_in_dim3A_145 : vector<16x1xi32> to vector<16xi32>
        %gather3A_147 = tpu.dynamic_gather %get3A_83[%gather3A_146] in [0] : vector<16xf32>, vector<16xi32> -> vector<16xf32>
        %sub3A_148 = arith.subf %get3A_37, %gather3A_147 : vector<16xf32>
        %mul3A_149 = arith.mulf %sub3A_143, %sub3A_143 : vector<16xf32>
        %mul3A_150 = arith.mulf %sub3A_148, %sub3A_148 : vector<16xf32>
        %add3A_151 = arith.addf %mul3A_149, %mul3A_150 : vector<16xf32>
        %min3A_152 = arith.minimumf %min3A_123, %add3A_151 : vector<16xf32>
        %max3A_153 = arith.maximumf %min3A_123, %add3A_151 : vector<16xf32>
        %min3A_154 = arith.minimumf %min3A_125, %max3A_153 : vector<16xf32>
        %max3A_155 = arith.maximumf %min3A_125, %max3A_153 : vector<16xf32>
        %min3A_156 = arith.minimumf %min3A_127, %max3A_155 : vector<16xf32>
        %max3A_157 = arith.maximumf %min3A_127, %max3A_155 : vector<16xf32>
        %min3A_158 = arith.minimumf %min3A_129, %max3A_157 : vector<16xf32>
        %max3A_159 = arith.maximumf %min3A_129, %max3A_157 : vector<16xf32>
        %min3A_160 = arith.minimumf %min3A_131, %max3A_159 : vector<16xf32>
        %max3A_161 = arith.maximumf %min3A_131, %max3A_159 : vector<16xf32>
        %min3A_162 = arith.minimumf %min3A_133, %max3A_161 : vector<16xf32>
        %max3A_163 = arith.maximumf %min3A_133, %max3A_161 : vector<16xf32>
        %min3A_164 = arith.minimumf %min3A_135, %max3A_163 : vector<16xf32>
        %max3A_165 = arith.maximumf %min3A_135, %max3A_163 : vector<16xf32>
        %min3A_166 = arith.minimumf %min3A_137, %max3A_165 : vector<16xf32>
        %max3A_167 = arith.maximumf %min3A_137, %max3A_165 : vector<16xf32>
        %broadcast_in_dim3A_168 = arith.constant 3 : i32
        %broadcast_in_dim3A_169 = vector.broadcast %broadcast_in_dim3A_168 : i32 to vector<16x1xi32>
        %gather3A_170 = vector.shape_cast %broadcast_in_dim3A_169 : vector<16x1xi32> to vector<16xi32>
        %gather3A_171 = tpu.dynamic_gather %get3A_78[%gather3A_170] in [0] : vector<16xf32>, vector<16xi32> -> vector<16xf32>
        %sub3A_172 = arith.subf %get3A_32, %gather3A_171 : vector<16xf32>
        %broadcast_in_dim3A_173 = arith.constant 3 : i32
        %broadcast_in_dim3A_174 = vector.broadcast %broadcast_in_dim3A_173 : i32 to vector<16x1xi32>
        %gather3A_175 = vector.shape_cast %broadcast_in_dim3A_174 : vector<16x1xi32> to vector<16xi32>
        %gather3A_176 = tpu.dynamic_gather %get3A_83[%gather3A_175] in [0] : vector<16xf32>, vector<16xi32> -> vector<16xf32>
        %sub3A_177 = arith.subf %get3A_37, %gather3A_176 : vector<16xf32>
        %mul3A_178 = arith.mulf %sub3A_172, %sub3A_172 : vector<16xf32>
        %mul3A_179 = arith.mulf %sub3A_177, %sub3A_177 : vector<16xf32>
        %add3A_180 = arith.addf %mul3A_178, %mul3A_179 : vector<16xf32>
        %min3A_181 = arith.minimumf %min3A_152, %add3A_180 : vector<16xf32>
        %max3A_182 = arith.maximumf %min3A_152, %add3A_180 : vector<16xf32>
        %min3A_183 = arith.minimumf %min3A_154, %max3A_182 : vector<16xf32>
        %max3A_184 = arith.maximumf %min3A_154, %max3A_182 : vector<16xf32>
        %min3A_185 = arith.minimumf %min3A_156, %max3A_184 : vector<16xf32>
        %max3A_186 = arith.maximumf %min3A_156, %max3A_184 : vector<16xf32>
        %min3A_187 = arith.minimumf %min3A_158, %max3A_186 : vector<16xf32>
        %max3A_188 = arith.maximumf %min3A_158, %max3A_186 : vector<16xf32>
        %min3A_189 = arith.minimumf %min3A_160, %max3A_188 : vector<16xf32>
        %max3A_190 = arith.maximumf %min3A_160, %max3A_188 : vector<16xf32>
        %min3A_191 = arith.minimumf %min3A_162, %max3A_190 : vector<16xf32>
        %max3A_192 = arith.maximumf %min3A_162, %max3A_190 : vector<16xf32>
        %min3A_193 = arith.minimumf %min3A_164, %max3A_192 : vector<16xf32>
        %max3A_194 = arith.maximumf %min3A_164, %max3A_192 : vector<16xf32>
        %min3A_195 = arith.minimumf %min3A_166, %max3A_194 : vector<16xf32>
        %max3A_196 = arith.maximumf %min3A_166, %max3A_194 : vector<16xf32>
        %broadcast_in_dim3A_197 = arith.constant 4 : i32
        %broadcast_in_dim3A_198 = vector.broadcast %broadcast_in_dim3A_197 : i32 to vector<16x1xi32>
        %gather3A_199 = vector.shape_cast %broadcast_in_dim3A_198 : vector<16x1xi32> to vector<16xi32>
        %gather3A_200 = tpu.dynamic_gather %get3A_78[%gather3A_199] in [0] : vector<16xf32>, vector<16xi32> -> vector<16xf32>
        %sub3A_201 = arith.subf %get3A_32, %gather3A_200 : vector<16xf32>
        %broadcast_in_dim3A_202 = arith.constant 4 : i32
        %broadcast_in_dim3A_203 = vector.broadcast %broadcast_in_dim3A_202 : i32 to vector<16x1xi32>
        %gather3A_204 = vector.shape_cast %broadcast_in_dim3A_203 : vector<16x1xi32> to vector<16xi32>
        %gather3A_205 = tpu.dynamic_gather %get3A_83[%gather3A_204] in [0] : vector<16xf32>, vector<16xi32> -> vector<16xf32>
        %sub3A_206 = arith.subf %get3A_37, %gather3A_205 : vector<16xf32>
        %mul3A_207 = arith.mulf %sub3A_201, %sub3A_201 : vector<16xf32>
        %mul3A_208 = arith.mulf %sub3A_206, %sub3A_206 : vector<16xf32>
        %add3A_209 = arith.addf %mul3A_207, %mul3A_208 : vector<16xf32>
        %min3A_210 = arith.minimumf %min3A_181, %add3A_209 : vector<16xf32>
        %max3A_211 = arith.maximumf %min3A_181, %add3A_209 : vector<16xf32>
        %min3A_212 = arith.minimumf %min3A_183, %max3A_211 : vector<16xf32>
        %max3A_213 = arith.maximumf %min3A_183, %max3A_211 : vector<16xf32>
        %min3A_214 = arith.minimumf %min3A_185, %max3A_213 : vector<16xf32>
        %max3A_215 = arith.maximumf %min3A_185, %max3A_213 : vector<16xf32>
        %min3A_216 = arith.minimumf %min3A_187, %max3A_215 : vector<16xf32>
        %max3A_217 = arith.maximumf %min3A_187, %max3A_215 : vector<16xf32>
        %min3A_218 = arith.minimumf %min3A_189, %max3A_217 : vector<16xf32>
        %max3A_219 = arith.maximumf %min3A_189, %max3A_217 : vector<16xf32>
        %min3A_220 = arith.minimumf %min3A_191, %max3A_219 : vector<16xf32>
        %max3A_221 = arith.maximumf %min3A_191, %max3A_219 : vector<16xf32>
        %min3A_222 = arith.minimumf %min3A_193, %max3A_221 : vector<16xf32>
        %max3A_223 = arith.maximumf %min3A_193, %max3A_221 : vector<16xf32>
        %min3A_224 = arith.minimumf %min3A_195, %max3A_223 : vector<16xf32>
        %max3A_225 = arith.maximumf %min3A_195, %max3A_223 : vector<16xf32>
        %broadcast_in_dim3A_226 = arith.constant 5 : i32
        %broadcast_in_dim3A_227 = vector.broadcast %broadcast_in_dim3A_226 : i32 to vector<16x1xi32>
        %gather3A_228 = vector.shape_cast %broadcast_in_dim3A_227 : vector<16x1xi32> to vector<16xi32>
        %gather3A_229 = tpu.dynamic_gather %get3A_78[%gather3A_228] in [0] : vector<16xf32>, vector<16xi32> -> vector<16xf32>
        %sub3A_230 = arith.subf %get3A_32, %gather3A_229 : vector<16xf32>
        %broadcast_in_dim3A_231 = arith.constant 5 : i32
        %broadcast_in_dim3A_232 = vector.broadcast %broadcast_in_dim3A_231 : i32 to vector<16x1xi32>
        %gather3A_233 = vector.shape_cast %broadcast_in_dim3A_232 : vector<16x1xi32> to vector<16xi32>
        %gather3A_234 = tpu.dynamic_gather %get3A_83[%gather3A_233] in [0] : vector<16xf32>, vector<16xi32> -> vector<16xf32>
        %sub3A_235 = arith.subf %get3A_37, %gather3A_234 : vector<16xf32>
        %mul3A_236 = arith.mulf %sub3A_230, %sub3A_230 : vector<16xf32>
        %mul3A_237 = arith.mulf %sub3A_235, %sub3A_235 : vector<16xf32>
        %add3A_238 = arith.addf %mul3A_236, %mul3A_237 : vector<16xf32>
        %min3A_239 = arith.minimumf %min3A_210, %add3A_238 : vector<16xf32>
        %max3A_240 = arith.maximumf %min3A_210, %add3A_238 : vector<16xf32>
        %min3A_241 = arith.minimumf %min3A_212, %max3A_240 : vector<16xf32>
        %max3A_242 = arith.maximumf %min3A_212, %max3A_240 : vector<16xf32>
        %min3A_243 = arith.minimumf %min3A_214, %max3A_242 : vector<16xf32>
        %max3A_244 = arith.maximumf %min3A_214, %max3A_242 : vector<16xf32>
        %min3A_245 = arith.minimumf %min3A_216, %max3A_244 : vector<16xf32>
        %max3A_246 = arith.maximumf %min3A_216, %max3A_244 : vector<16xf32>
        %min3A_247 = arith.minimumf %min3A_218, %max3A_246 : vector<16xf32>
        %max3A_248 = arith.maximumf %min3A_218, %max3A_246 : vector<16xf32>
        %min3A_249 = arith.minimumf %min3A_220, %max3A_248 : vector<16xf32>
        %max3A_250 = arith.maximumf %min3A_220, %max3A_248 : vector<16xf32>
        %min3A_251 = arith.minimumf %min3A_222, %max3A_250 : vector<16xf32>
        %max3A_252 = arith.maximumf %min3A_222, %max3A_250 : vector<16xf32>
        %min3A_253 = arith.minimumf %min3A_224, %max3A_252 : vector<16xf32>
        %max3A_254 = arith.maximumf %min3A_224, %max3A_252 : vector<16xf32>
        %broadcast_in_dim3A_255 = arith.constant 6 : i32
        %broadcast_in_dim3A_256 = vector.broadcast %broadcast_in_dim3A_255 : i32 to vector<16x1xi32>
        %gather3A_257 = vector.shape_cast %broadcast_in_dim3A_256 : vector<16x1xi32> to vector<16xi32>
        %gather3A_258 = tpu.dynamic_gather %get3A_78[%gather3A_257] in [0] : vector<16xf32>, vector<16xi32> -> vector<16xf32>
        %sub3A_259 = arith.subf %get3A_32, %gather3A_258 : vector<16xf32>
        %broadcast_in_dim3A_260 = arith.constant 6 : i32
        %broadcast_in_dim3A_261 = vector.broadcast %broadcast_in_dim3A_260 : i32 to vector<16x1xi32>
        %gather3A_262 = vector.shape_cast %broadcast_in_dim3A_261 : vector<16x1xi32> to vector<16xi32>
        %gather3A_263 = tpu.dynamic_gather %get3A_83[%gather3A_262] in [0] : vector<16xf32>, vector<16xi32> -> vector<16xf32>
        %sub3A_264 = arith.subf %get3A_37, %gather3A_263 : vector<16xf32>
        %mul3A_265 = arith.mulf %sub3A_259, %sub3A_259 : vector<16xf32>
        %mul3A_266 = arith.mulf %sub3A_264, %sub3A_264 : vector<16xf32>
        %add3A_267 = arith.addf %mul3A_265, %mul3A_266 : vector<16xf32>
        %min3A_268 = arith.minimumf %min3A_239, %add3A_267 : vector<16xf32>
        %max3A_269 = arith.maximumf %min3A_239, %add3A_267 : vector<16xf32>
        %min3A_270 = arith.minimumf %min3A_241, %max3A_269 : vector<16xf32>
        %max3A_271 = arith.maximumf %min3A_241, %max3A_269 : vector<16xf32>
        %min3A_272 = arith.minimumf %min3A_243, %max3A_271 : vector<16xf32>
        %max3A_273 = arith.maximumf %min3A_243, %max3A_271 : vector<16xf32>
        %min3A_274 = arith.minimumf %min3A_245, %max3A_273 : vector<16xf32>
        %max3A_275 = arith.maximumf %min3A_245, %max3A_273 : vector<16xf32>
        %min3A_276 = arith.minimumf %min3A_247, %max3A_275 : vector<16xf32>
        %max3A_277 = arith.maximumf %min3A_247, %max3A_275 : vector<16xf32>
        %min3A_278 = arith.minimumf %min3A_249, %max3A_277 : vector<16xf32>
        %max3A_279 = arith.maximumf %min3A_249, %max3A_277 : vector<16xf32>
        %min3A_280 = arith.minimumf %min3A_251, %max3A_279 : vector<16xf32>
        %max3A_281 = arith.maximumf %min3A_251, %max3A_279 : vector<16xf32>
        %min3A_282 = arith.minimumf %min3A_253, %max3A_281 : vector<16xf32>
        %max3A_283 = arith.maximumf %min3A_253, %max3A_281 : vector<16xf32>
        %broadcast_in_dim3A_284 = arith.constant 7 : i32
        %broadcast_in_dim3A_285 = vector.broadcast %broadcast_in_dim3A_284 : i32 to vector<16x1xi32>
        %gather3A_286 = vector.shape_cast %broadcast_in_dim3A_285 : vector<16x1xi32> to vector<16xi32>
        %gather3A_287 = tpu.dynamic_gather %get3A_78[%gather3A_286] in [0] : vector<16xf32>, vector<16xi32> -> vector<16xf32>
        %sub3A_288 = arith.subf %get3A_32, %gather3A_287 : vector<16xf32>
        %broadcast_in_dim3A_289 = arith.constant 7 : i32
        %broadcast_in_dim3A_290 = vector.broadcast %broadcast_in_dim3A_289 : i32 to vector<16x1xi32>
        %gather3A_291 = vector.shape_cast %broadcast_in_dim3A_290 : vector<16x1xi32> to vector<16xi32>
        %gather3A_292 = tpu.dynamic_gather %get3A_83[%gather3A_291] in [0] : vector<16xf32>, vector<16xi32> -> vector<16xf32>
        %sub3A_293 = arith.subf %get3A_37, %gather3A_292 : vector<16xf32>
        %mul3A_294 = arith.mulf %sub3A_288, %sub3A_288 : vector<16xf32>
        %mul3A_295 = arith.mulf %sub3A_293, %sub3A_293 : vector<16xf32>
        %add3A_296 = arith.addf %mul3A_294, %mul3A_295 : vector<16xf32>
        %min3A_297 = arith.minimumf %min3A_268, %add3A_296 : vector<16xf32>
        %max3A_298 = arith.maximumf %min3A_268, %add3A_296 : vector<16xf32>
        %min3A_299 = arith.minimumf %min3A_270, %max3A_298 : vector<16xf32>
        %max3A_300 = arith.maximumf %min3A_270, %max3A_298 : vector<16xf32>
        %min3A_301 = arith.minimumf %min3A_272, %max3A_300 : vector<16xf32>
        %max3A_302 = arith.maximumf %min3A_272, %max3A_300 : vector<16xf32>
        %min3A_303 = arith.minimumf %min3A_274, %max3A_302 : vector<16xf32>
        %max3A_304 = arith.maximumf %min3A_274, %max3A_302 : vector<16xf32>
        %min3A_305 = arith.minimumf %min3A_276, %max3A_304 : vector<16xf32>
        %max3A_306 = arith.maximumf %min3A_276, %max3A_304 : vector<16xf32>
        %min3A_307 = arith.minimumf %min3A_278, %max3A_306 : vector<16xf32>
        %max3A_308 = arith.maximumf %min3A_278, %max3A_306 : vector<16xf32>
        %min3A_309 = arith.minimumf %min3A_280, %max3A_308 : vector<16xf32>
        %max3A_310 = arith.maximumf %min3A_280, %max3A_308 : vector<16xf32>
        %min3A_311 = arith.minimumf %min3A_282, %max3A_310 : vector<16xf32>
        %max3A_312 = arith.maximumf %min3A_282, %max3A_310 : vector<16xf32>
        %broadcast_in_dim3A_313 = arith.constant 8 : i32
        %broadcast_in_dim3A_314 = vector.broadcast %broadcast_in_dim3A_313 : i32 to vector<16x1xi32>
        %gather3A_315 = vector.shape_cast %broadcast_in_dim3A_314 : vector<16x1xi32> to vector<16xi32>
        %gather3A_316 = tpu.dynamic_gather %get3A_78[%gather3A_315] in [0] : vector<16xf32>, vector<16xi32> -> vector<16xf32>
        %sub3A_317 = arith.subf %get3A_32, %gather3A_316 : vector<16xf32>
        %broadcast_in_dim3A_318 = arith.constant 8 : i32
        %broadcast_in_dim3A_319 = vector.broadcast %broadcast_in_dim3A_318 : i32 to vector<16x1xi32>
        %gather3A_320 = vector.shape_cast %broadcast_in_dim3A_319 : vector<16x1xi32> to vector<16xi32>
        %gather3A_321 = tpu.dynamic_gather %get3A_83[%gather3A_320] in [0] : vector<16xf32>, vector<16xi32> -> vector<16xf32>
        %sub3A_322 = arith.subf %get3A_37, %gather3A_321 : vector<16xf32>
        %mul3A_323 = arith.mulf %sub3A_317, %sub3A_317 : vector<16xf32>
        %mul3A_324 = arith.mulf %sub3A_322, %sub3A_322 : vector<16xf32>
        %add3A_325 = arith.addf %mul3A_323, %mul3A_324 : vector<16xf32>
        %min3A_326 = arith.minimumf %min3A_297, %add3A_325 : vector<16xf32>
        %max3A_327 = arith.maximumf %min3A_297, %add3A_325 : vector<16xf32>
        %min3A_328 = arith.minimumf %min3A_299, %max3A_327 : vector<16xf32>
        %max3A_329 = arith.maximumf %min3A_299, %max3A_327 : vector<16xf32>
        %min3A_330 = arith.minimumf %min3A_301, %max3A_329 : vector<16xf32>
        %max3A_331 = arith.maximumf %min3A_301, %max3A_329 : vector<16xf32>
        %min3A_332 = arith.minimumf %min3A_303, %max3A_331 : vector<16xf32>
        %max3A_333 = arith.maximumf %min3A_303, %max3A_331 : vector<16xf32>
        %min3A_334 = arith.minimumf %min3A_305, %max3A_333 : vector<16xf32>
        %max3A_335 = arith.maximumf %min3A_305, %max3A_333 : vector<16xf32>
        %min3A_336 = arith.minimumf %min3A_307, %max3A_335 : vector<16xf32>
        %max3A_337 = arith.maximumf %min3A_307, %max3A_335 : vector<16xf32>
        %min3A_338 = arith.minimumf %min3A_309, %max3A_337 : vector<16xf32>
        %max3A_339 = arith.maximumf %min3A_309, %max3A_337 : vector<16xf32>
        %min3A_340 = arith.minimumf %min3A_311, %max3A_339 : vector<16xf32>
        %max3A_341 = arith.maximumf %min3A_311, %max3A_339 : vector<16xf32>
        %broadcast_in_dim3A_342 = arith.constant 9 : i32
        %broadcast_in_dim3A_343 = vector.broadcast %broadcast_in_dim3A_342 : i32 to vector<16x1xi32>
        %gather3A_344 = vector.shape_cast %broadcast_in_dim3A_343 : vector<16x1xi32> to vector<16xi32>
        %gather3A_345 = tpu.dynamic_gather %get3A_78[%gather3A_344] in [0] : vector<16xf32>, vector<16xi32> -> vector<16xf32>
        %sub3A_346 = arith.subf %get3A_32, %gather3A_345 : vector<16xf32>
        %broadcast_in_dim3A_347 = arith.constant 9 : i32
        %broadcast_in_dim3A_348 = vector.broadcast %broadcast_in_dim3A_347 : i32 to vector<16x1xi32>
        %gather3A_349 = vector.shape_cast %broadcast_in_dim3A_348 : vector<16x1xi32> to vector<16xi32>
        %gather3A_350 = tpu.dynamic_gather %get3A_83[%gather3A_349] in [0] : vector<16xf32>, vector<16xi32> -> vector<16xf32>
        %sub3A_351 = arith.subf %get3A_37, %gather3A_350 : vector<16xf32>
        %mul3A_352 = arith.mulf %sub3A_346, %sub3A_346 : vector<16xf32>
        %mul3A_353 = arith.mulf %sub3A_351, %sub3A_351 : vector<16xf32>
        %add3A_354 = arith.addf %mul3A_352, %mul3A_353 : vector<16xf32>
        %min3A_355 = arith.minimumf %min3A_326, %add3A_354 : vector<16xf32>
        %max3A_356 = arith.maximumf %min3A_326, %add3A_354 : vector<16xf32>
        %min3A_357 = arith.minimumf %min3A_328, %max3A_356 : vector<16xf32>
        %max3A_358 = arith.maximumf %min3A_328, %max3A_356 : vector<16xf32>
        %min3A_359 = arith.minimumf %min3A_330, %max3A_358 : vector<16xf32>
        %max3A_360 = arith.maximumf %min3A_330, %max3A_358 : vector<16xf32>
        %min3A_361 = arith.minimumf %min3A_332, %max3A_360 : vector<16xf32>
        %max3A_362 = arith.maximumf %min3A_332, %max3A_360 : vector<16xf32>
        %min3A_363 = arith.minimumf %min3A_334, %max3A_362 : vector<16xf32>
        %max3A_364 = arith.maximumf %min3A_334, %max3A_362 : vector<16xf32>
        %min3A_365 = arith.minimumf %min3A_336, %max3A_364 : vector<16xf32>
        %max3A_366 = arith.maximumf %min3A_336, %max3A_364 : vector<16xf32>
        %min3A_367 = arith.minimumf %min3A_338, %max3A_366 : vector<16xf32>
        %max3A_368 = arith.maximumf %min3A_338, %max3A_366 : vector<16xf32>
        %min3A_369 = arith.minimumf %min3A_340, %max3A_368 : vector<16xf32>
        %max3A_370 = arith.maximumf %min3A_340, %max3A_368 : vector<16xf32>
        %broadcast_in_dim3A_371 = arith.constant 10 : i32
        %broadcast_in_dim3A_372 = vector.broadcast %broadcast_in_dim3A_371 : i32 to vector<16x1xi32>
        %gather3A_373 = vector.shape_cast %broadcast_in_dim3A_372 : vector<16x1xi32> to vector<16xi32>
        %gather3A_374 = tpu.dynamic_gather %get3A_78[%gather3A_373] in [0] : vector<16xf32>, vector<16xi32> -> vector<16xf32>
        %sub3A_375 = arith.subf %get3A_32, %gather3A_374 : vector<16xf32>
        %broadcast_in_dim3A_376 = arith.constant 10 : i32
        %broadcast_in_dim3A_377 = vector.broadcast %broadcast_in_dim3A_376 : i32 to vector<16x1xi32>
        %gather3A_378 = vector.shape_cast %broadcast_in_dim3A_377 : vector<16x1xi32> to vector<16xi32>
        %gather3A_379 = tpu.dynamic_gather %get3A_83[%gather3A_378] in [0] : vector<16xf32>, vector<16xi32> -> vector<16xf32>
        %sub3A_380 = arith.subf %get3A_37, %gather3A_379 : vector<16xf32>
        %mul3A_381 = arith.mulf %sub3A_375, %sub3A_375 : vector<16xf32>
        %mul3A_382 = arith.mulf %sub3A_380, %sub3A_380 : vector<16xf32>
        %add3A_383 = arith.addf %mul3A_381, %mul3A_382 : vector<16xf32>
        %min3A_384 = arith.minimumf %min3A_355, %add3A_383 : vector<16xf32>
        %max3A_385 = arith.maximumf %min3A_355, %add3A_383 : vector<16xf32>
        %min3A_386 = arith.minimumf %min3A_357, %max3A_385 : vector<16xf32>
        %max3A_387 = arith.maximumf %min3A_357, %max3A_385 : vector<16xf32>
        %min3A_388 = arith.minimumf %min3A_359, %max3A_387 : vector<16xf32>
        %max3A_389 = arith.maximumf %min3A_359, %max3A_387 : vector<16xf32>
        %min3A_390 = arith.minimumf %min3A_361, %max3A_389 : vector<16xf32>
        %max3A_391 = arith.maximumf %min3A_361, %max3A_389 : vector<16xf32>
        %min3A_392 = arith.minimumf %min3A_363, %max3A_391 : vector<16xf32>
        %max3A_393 = arith.maximumf %min3A_363, %max3A_391 : vector<16xf32>
        %min3A_394 = arith.minimumf %min3A_365, %max3A_393 : vector<16xf32>
        %max3A_395 = arith.maximumf %min3A_365, %max3A_393 : vector<16xf32>
        %min3A_396 = arith.minimumf %min3A_367, %max3A_395 : vector<16xf32>
        %max3A_397 = arith.maximumf %min3A_367, %max3A_395 : vector<16xf32>
        %min3A_398 = arith.minimumf %min3A_369, %max3A_397 : vector<16xf32>
        %max3A_399 = arith.maximumf %min3A_369, %max3A_397 : vector<16xf32>
        %broadcast_in_dim3A_400 = arith.constant 11 : i32
        %broadcast_in_dim3A_401 = vector.broadcast %broadcast_in_dim3A_400 : i32 to vector<16x1xi32>
        %gather3A_402 = vector.shape_cast %broadcast_in_dim3A_401 : vector<16x1xi32> to vector<16xi32>
        %gather3A_403 = tpu.dynamic_gather %get3A_78[%gather3A_402] in [0] : vector<16xf32>, vector<16xi32> -> vector<16xf32>
        %sub3A_404 = arith.subf %get3A_32, %gather3A_403 : vector<16xf32>
        %broadcast_in_dim3A_405 = arith.constant 11 : i32
        %broadcast_in_dim3A_406 = vector.broadcast %broadcast_in_dim3A_405 : i32 to vector<16x1xi32>
        %gather3A_407 = vector.shape_cast %broadcast_in_dim3A_406 : vector<16x1xi32> to vector<16xi32>
        %gather3A_408 = tpu.dynamic_gather %get3A_83[%gather3A_407] in [0] : vector<16xf32>, vector<16xi32> -> vector<16xf32>
        %sub3A_409 = arith.subf %get3A_37, %gather3A_408 : vector<16xf32>
        %mul3A_410 = arith.mulf %sub3A_404, %sub3A_404 : vector<16xf32>
        %mul3A_411 = arith.mulf %sub3A_409, %sub3A_409 : vector<16xf32>
        %add3A_412 = arith.addf %mul3A_410, %mul3A_411 : vector<16xf32>
        %min3A_413 = arith.minimumf %min3A_384, %add3A_412 : vector<16xf32>
        %max3A_414 = arith.maximumf %min3A_384, %add3A_412 : vector<16xf32>
        %min3A_415 = arith.minimumf %min3A_386, %max3A_414 : vector<16xf32>
        %max3A_416 = arith.maximumf %min3A_386, %max3A_414 : vector<16xf32>
        %min3A_417 = arith.minimumf %min3A_388, %max3A_416 : vector<16xf32>
        %max3A_418 = arith.maximumf %min3A_388, %max3A_416 : vector<16xf32>
        %min3A_419 = arith.minimumf %min3A_390, %max3A_418 : vector<16xf32>
        %max3A_420 = arith.maximumf %min3A_390, %max3A_418 : vector<16xf32>
        %min3A_421 = arith.minimumf %min3A_392, %max3A_420 : vector<16xf32>
        %max3A_422 = arith.maximumf %min3A_392, %max3A_420 : vector<16xf32>
        %min3A_423 = arith.minimumf %min3A_394, %max3A_422 : vector<16xf32>
        %max3A_424 = arith.maximumf %min3A_394, %max3A_422 : vector<16xf32>
        %min3A_425 = arith.minimumf %min3A_396, %max3A_424 : vector<16xf32>
        %max3A_426 = arith.maximumf %min3A_396, %max3A_424 : vector<16xf32>
        %min3A_427 = arith.minimumf %min3A_398, %max3A_426 : vector<16xf32>
        %max3A_428 = arith.maximumf %min3A_398, %max3A_426 : vector<16xf32>
        %broadcast_in_dim3A_429 = arith.constant 12 : i32
        %broadcast_in_dim3A_430 = vector.broadcast %broadcast_in_dim3A_429 : i32 to vector<16x1xi32>
        %gather3A_431 = vector.shape_cast %broadcast_in_dim3A_430 : vector<16x1xi32> to vector<16xi32>
        %gather3A_432 = tpu.dynamic_gather %get3A_78[%gather3A_431] in [0] : vector<16xf32>, vector<16xi32> -> vector<16xf32>
        %sub3A_433 = arith.subf %get3A_32, %gather3A_432 : vector<16xf32>
        %broadcast_in_dim3A_434 = arith.constant 12 : i32
        %broadcast_in_dim3A_435 = vector.broadcast %broadcast_in_dim3A_434 : i32 to vector<16x1xi32>
        %gather3A_436 = vector.shape_cast %broadcast_in_dim3A_435 : vector<16x1xi32> to vector<16xi32>
        %gather3A_437 = tpu.dynamic_gather %get3A_83[%gather3A_436] in [0] : vector<16xf32>, vector<16xi32> -> vector<16xf32>
        %sub3A_438 = arith.subf %get3A_37, %gather3A_437 : vector<16xf32>
        %mul3A_439 = arith.mulf %sub3A_433, %sub3A_433 : vector<16xf32>
        %mul3A_440 = arith.mulf %sub3A_438, %sub3A_438 : vector<16xf32>
        %add3A_441 = arith.addf %mul3A_439, %mul3A_440 : vector<16xf32>
        %min3A_442 = arith.minimumf %min3A_413, %add3A_441 : vector<16xf32>
        %max3A_443 = arith.maximumf %min3A_413, %add3A_441 : vector<16xf32>
        %min3A_444 = arith.minimumf %min3A_415, %max3A_443 : vector<16xf32>
        %max3A_445 = arith.maximumf %min3A_415, %max3A_443 : vector<16xf32>
        %min3A_446 = arith.minimumf %min3A_417, %max3A_445 : vector<16xf32>
        %max3A_447 = arith.maximumf %min3A_417, %max3A_445 : vector<16xf32>
        %min3A_448 = arith.minimumf %min3A_419, %max3A_447 : vector<16xf32>
        %max3A_449 = arith.maximumf %min3A_419, %max3A_447 : vector<16xf32>
        %min3A_450 = arith.minimumf %min3A_421, %max3A_449 : vector<16xf32>
        %max3A_451 = arith.maximumf %min3A_421, %max3A_449 : vector<16xf32>
        %min3A_452 = arith.minimumf %min3A_423, %max3A_451 : vector<16xf32>
        %max3A_453 = arith.maximumf %min3A_423, %max3A_451 : vector<16xf32>
        %min3A_454 = arith.minimumf %min3A_425, %max3A_453 : vector<16xf32>
        %max3A_455 = arith.maximumf %min3A_425, %max3A_453 : vector<16xf32>
        %min3A_456 = arith.minimumf %min3A_427, %max3A_455 : vector<16xf32>
        %max3A_457 = arith.maximumf %min3A_427, %max3A_455 : vector<16xf32>
        %broadcast_in_dim3A_458 = arith.constant 13 : i32
        %broadcast_in_dim3A_459 = vector.broadcast %broadcast_in_dim3A_458 : i32 to vector<16x1xi32>
        %gather3A_460 = vector.shape_cast %broadcast_in_dim3A_459 : vector<16x1xi32> to vector<16xi32>
        %gather3A_461 = tpu.dynamic_gather %get3A_78[%gather3A_460] in [0] : vector<16xf32>, vector<16xi32> -> vector<16xf32>
        %sub3A_462 = arith.subf %get3A_32, %gather3A_461 : vector<16xf32>
        %broadcast_in_dim3A_463 = arith.constant 13 : i32
        %broadcast_in_dim3A_464 = vector.broadcast %broadcast_in_dim3A_463 : i32 to vector<16x1xi32>
        %gather3A_465 = vector.shape_cast %broadcast_in_dim3A_464 : vector<16x1xi32> to vector<16xi32>
        %gather3A_466 = tpu.dynamic_gather %get3A_83[%gather3A_465] in [0] : vector<16xf32>, vector<16xi32> -> vector<16xf32>
        %sub3A_467 = arith.subf %get3A_37, %gather3A_466 : vector<16xf32>
        %mul3A_468 = arith.mulf %sub3A_462, %sub3A_462 : vector<16xf32>
        %mul3A_469 = arith.mulf %sub3A_467, %sub3A_467 : vector<16xf32>
        %add3A_470 = arith.addf %mul3A_468, %mul3A_469 : vector<16xf32>
        %min3A_471 = arith.minimumf %min3A_442, %add3A_470 : vector<16xf32>
        %max3A_472 = arith.maximumf %min3A_442, %add3A_470 : vector<16xf32>
        %min3A_473 = arith.minimumf %min3A_444, %max3A_472 : vector<16xf32>
        %max3A_474 = arith.maximumf %min3A_444, %max3A_472 : vector<16xf32>
        %min3A_475 = arith.minimumf %min3A_446, %max3A_474 : vector<16xf32>
        %max3A_476 = arith.maximumf %min3A_446, %max3A_474 : vector<16xf32>
        %min3A_477 = arith.minimumf %min3A_448, %max3A_476 : vector<16xf32>
        %max3A_478 = arith.maximumf %min3A_448, %max3A_476 : vector<16xf32>
        %min3A_479 = arith.minimumf %min3A_450, %max3A_478 : vector<16xf32>
        %max3A_480 = arith.maximumf %min3A_450, %max3A_478 : vector<16xf32>
        %min3A_481 = arith.minimumf %min3A_452, %max3A_480 : vector<16xf32>
        %max3A_482 = arith.maximumf %min3A_452, %max3A_480 : vector<16xf32>
        %min3A_483 = arith.minimumf %min3A_454, %max3A_482 : vector<16xf32>
        %max3A_484 = arith.maximumf %min3A_454, %max3A_482 : vector<16xf32>
        %min3A_485 = arith.minimumf %min3A_456, %max3A_484 : vector<16xf32>
        %max3A_486 = arith.maximumf %min3A_456, %max3A_484 : vector<16xf32>
        %broadcast_in_dim3A_487 = arith.constant 14 : i32
        %broadcast_in_dim3A_488 = vector.broadcast %broadcast_in_dim3A_487 : i32 to vector<16x1xi32>
        %gather3A_489 = vector.shape_cast %broadcast_in_dim3A_488 : vector<16x1xi32> to vector<16xi32>
        %gather3A_490 = tpu.dynamic_gather %get3A_78[%gather3A_489] in [0] : vector<16xf32>, vector<16xi32> -> vector<16xf32>
        %sub3A_491 = arith.subf %get3A_32, %gather3A_490 : vector<16xf32>
        %broadcast_in_dim3A_492 = arith.constant 14 : i32
        %broadcast_in_dim3A_493 = vector.broadcast %broadcast_in_dim3A_492 : i32 to vector<16x1xi32>
        %gather3A_494 = vector.shape_cast %broadcast_in_dim3A_493 : vector<16x1xi32> to vector<16xi32>
        %gather3A_495 = tpu.dynamic_gather %get3A_83[%gather3A_494] in [0] : vector<16xf32>, vector<16xi32> -> vector<16xf32>
        %sub3A_496 = arith.subf %get3A_37, %gather3A_495 : vector<16xf32>
        %mul3A_497 = arith.mulf %sub3A_491, %sub3A_491 : vector<16xf32>
        %mul3A_498 = arith.mulf %sub3A_496, %sub3A_496 : vector<16xf32>
        %add3A_499 = arith.addf %mul3A_497, %mul3A_498 : vector<16xf32>
        %min3A_500 = arith.minimumf %min3A_471, %add3A_499 : vector<16xf32>
        %max3A_501 = arith.maximumf %min3A_471, %add3A_499 : vector<16xf32>
        %min3A_502 = arith.minimumf %min3A_473, %max3A_501 : vector<16xf32>
        %max3A_503 = arith.maximumf %min3A_473, %max3A_501 : vector<16xf32>
        %min3A_504 = arith.minimumf %min3A_475, %max3A_503 : vector<16xf32>
        %max3A_505 = arith.maximumf %min3A_475, %max3A_503 : vector<16xf32>
        %min3A_506 = arith.minimumf %min3A_477, %max3A_505 : vector<16xf32>
        %max3A_507 = arith.maximumf %min3A_477, %max3A_505 : vector<16xf32>
        %min3A_508 = arith.minimumf %min3A_479, %max3A_507 : vector<16xf32>
        %max3A_509 = arith.maximumf %min3A_479, %max3A_507 : vector<16xf32>
        %min3A_510 = arith.minimumf %min3A_481, %max3A_509 : vector<16xf32>
        %max3A_511 = arith.maximumf %min3A_481, %max3A_509 : vector<16xf32>
        %min3A_512 = arith.minimumf %min3A_483, %max3A_511 : vector<16xf32>
        %max3A_513 = arith.maximumf %min3A_483, %max3A_511 : vector<16xf32>
        %min3A_514 = arith.minimumf %min3A_485, %max3A_513 : vector<16xf32>
        %max3A_515 = arith.maximumf %min3A_485, %max3A_513 : vector<16xf32>
        %broadcast_in_dim3A_516 = arith.constant 15 : i32
        %broadcast_in_dim3A_517 = vector.broadcast %broadcast_in_dim3A_516 : i32 to vector<16x1xi32>
        %gather3A_518 = vector.shape_cast %broadcast_in_dim3A_517 : vector<16x1xi32> to vector<16xi32>
        %gather3A_519 = tpu.dynamic_gather %get3A_78[%gather3A_518] in [0] : vector<16xf32>, vector<16xi32> -> vector<16xf32>
        %sub3A_520 = arith.subf %get3A_32, %gather3A_519 : vector<16xf32>
        %broadcast_in_dim3A_521 = arith.constant 15 : i32
        %broadcast_in_dim3A_522 = vector.broadcast %broadcast_in_dim3A_521 : i32 to vector<16x1xi32>
        %gather3A_523 = vector.shape_cast %broadcast_in_dim3A_522 : vector<16x1xi32> to vector<16xi32>
        %gather3A_524 = tpu.dynamic_gather %get3A_83[%gather3A_523] in [0] : vector<16xf32>, vector<16xi32> -> vector<16xf32>
        %sub3A_525 = arith.subf %get3A_37, %gather3A_524 : vector<16xf32>
        %mul3A_526 = arith.mulf %sub3A_520, %sub3A_520 : vector<16xf32>
        %mul3A_527 = arith.mulf %sub3A_525, %sub3A_525 : vector<16xf32>
        %add3A_528 = arith.addf %mul3A_526, %mul3A_527 : vector<16xf32>
        %min3A_529 = arith.minimumf %min3A_500, %add3A_528 : vector<16xf32>
        %max3A_530 = arith.maximumf %min3A_500, %add3A_528 : vector<16xf32>
        %min3A_531 = arith.minimumf %min3A_502, %max3A_530 : vector<16xf32>
        %max3A_532 = arith.maximumf %min3A_502, %max3A_530 : vector<16xf32>
        %min3A_533 = arith.minimumf %min3A_504, %max3A_532 : vector<16xf32>
        %max3A_534 = arith.maximumf %min3A_504, %max3A_532 : vector<16xf32>
        %min3A_535 = arith.minimumf %min3A_506, %max3A_534 : vector<16xf32>
        %max3A_536 = arith.maximumf %min3A_506, %max3A_534 : vector<16xf32>
        %min3A_537 = arith.minimumf %min3A_508, %max3A_536 : vector<16xf32>
        %max3A_538 = arith.maximumf %min3A_508, %max3A_536 : vector<16xf32>
        %min3A_539 = arith.minimumf %min3A_510, %max3A_538 : vector<16xf32>
        %max3A_540 = arith.maximumf %min3A_510, %max3A_538 : vector<16xf32>
        %min3A_541 = arith.minimumf %min3A_512, %max3A_540 : vector<16xf32>
        %max3A_542 = arith.maximumf %min3A_512, %max3A_540 : vector<16xf32>
        %min3A_543 = arith.minimumf %min3A_514, %max3A_542 : vector<16xf32>
        %max3A_544 = arith.maximumf %min3A_514, %max3A_542 : vector<16xf32>
        scf.yield %min3A_529, %min3A_531, %min3A_533, %min3A_535, %min3A_537, %min3A_539, %min3A_541, %min3A_543 : vector<16xf32>, vector<16xf32>, vector<16xf32>, vector<16xf32>, vector<16xf32>, vector<16xf32>, vector<16xf32>, vector<16xf32>
      }
      %scan3A_58 = arith.constant 32 : i32
      %mul3A_59 = arith.constant 16 : i32
      %mul3A_60 = arith.muli %scan3A_27, %mul3A_59 : i32
      %swap3A = arith.index_cast %mul3A_60 : i32 to index
      %swap3A_61 = tpu.vector_load %arg9[%swap3A] {strides = array<i32>} : memref<256xf32, #tpu.memory_space<vmem>>, vector<16xf32>,
      %swap3A_62 = vector.shape_cast %swap3A_61 : vector<16xf32> to vector<16xf32>
      %swap3A_63 = vector.shape_cast %scan3A_57#7 : vector<16xf32> to vector<16xf32>
      tpu.vector_store %arg9[%swap3A], %swap3A_63 {strides = array<i32>} : memref<256xf32, #tpu.memory_space<vmem>>, vector<16xf32>,
      %scan3A_64 = arith.constant 0 : i32
      scf.yield %scan3A_64 : i32
    }
    %scan3A_26 = arith.constant 16 : i32
    "tpu.region"() ({
      %run_scoped3A = tpu.sem_alloc : memref<!tpu.dma_semaphore, #tpu.memory_space<semaphore_mem>>
      %dma_start3A = tpu.memref_slice %arg4[%mul3A_2] : memref<8192xf32, #tpu.memory_space<hbm>> -> memref<256xf32, #tpu.memory_space<hbm>>
      %dma_start3A_27 = tpu.memref_slice %arg4[%mul3A_2] : memref<8192xf32, #tpu.memory_space<hbm>> -> memref<256xf32, #tpu.memory_space<hbm>>
      tpu.enqueue_dma source(%arg9 : memref<256xf32, #tpu.memory_space<vmem>>) target(%dma_start3A_27 : memref<256xf32, #tpu.memory_space<hbm>>) target_semaphore(%run_scoped3A : memref<!tpu.dma_semaphore, #tpu.memory_space<semaphore_mem>>)
      %dma_wait3A = tpu.memref_slice %arg4[%mul3A_2] : memref<8192xf32, #tpu.memory_space<hbm>> -> memref<256xf32, #tpu.memory_space<hbm>>
      %dma_wait3A_28 = tpu.memref_slice %arg4[%mul3A_2] : memref<8192xf32, #tpu.memory_space<hbm>> -> memref<256xf32, #tpu.memory_space<hbm>>
      tpu.wait_dma2 semaphore(%run_scoped3A : memref<!tpu.dma_semaphore, #tpu.memory_space<semaphore_mem>>) src(%arg9 : memref<256xf32, #tpu.memory_space<vmem>>) dst(%dma_wait3A_28 : memref<256xf32, #tpu.memory_space<hbm>>)
      tpu.yield
    }) : () -> ()
    return
  }
}

module attributes {stable_mosaic.version = 14 : i64} {
  func.func @_body(%arg0: i32, %arg1: memref<1x1x512x128xf32, #tpu.memory_space<vmem>>, %arg2: memref<1x1x512x128xf32, #tpu.memory_space<vmem>>, %arg3: memref<1x1x512x128xf32, #tpu.memory_space<vmem>>, %arg4: memref<1x512x8xf32, #tpu.memory_space<vmem>>, %arg5: memref<1x8x512xf32, #tpu.memory_space<vmem>>, %arg6: memref<128x128xf32, #tpu.memory_space<vmem>>, %arg7: memref<128x128xf32, #tpu.memory_space<vmem>>, %arg8: memref<128x128xf32, #tpu.memory_space<vmem>>, %arg9: memref<128x128xf32, #tpu.memory_space<vmem>>, %arg10: memref<128x128xf32, #tpu.memory_space<vmem>>, %arg11: memref<1x128xf32, #tpu.memory_space<vmem>>, %arg12: memref<1x128xf32, #tpu.memory_space<vmem>>, %arg13: memref<1x128xf32, #tpu.memory_space<vmem>>, %arg14: memref<1x128xf32, #tpu.memory_space<vmem>>, %arg15: memref<1x512x128xf32, #tpu.memory_space<vmem>>) attributes {dimension_semantics = [#tpu.dimension_semantics<arbitrary>], iteration_bounds = array<i64: 16>, scalar_prefetch = 0 : i64, scratch_operands = 0 : i64, tpu.core_type = #tpu.core_type<tc>, window_params = [{transform_indices = @transform_0, window_bounds = array<i64: 1, 1, 512, 128>}, {transform_indices = @transform_1, window_bounds = array<i64: 1, 1, 512, 128>}, {transform_indices = @transform_2, window_bounds = array<i64: 1, 1, 512, 128>}, {transform_indices = @transform_3, window_bounds = array<i64: 1, 512, 8>}, {transform_indices = @transform_4, window_bounds = array<i64: 1, 8, 512>}, {pipeline_mode = #tpu.pipeline_mode<synchronous>, transform_indices = @transform_5, window_bounds = array<i64: 128, 128>}, {pipeline_mode = #tpu.pipeline_mode<synchronous>, transform_indices = @transform_6, window_bounds = array<i64: 128, 128>}, {pipeline_mode = #tpu.pipeline_mode<synchronous>, transform_indices = @transform_7, window_bounds = array<i64: 128, 128>}, {pipeline_mode = #tpu.pipeline_mode<synchronous>, transform_indices = @transform_8, window_bounds = array<i64: 128, 128>}, {pipeline_mode = #tpu.pipeline_mode<synchronous>, transform_indices = @transform_9, window_bounds = array<i64: 128, 128>}, {pipeline_mode = #tpu.pipeline_mode<synchronous>, transform_indices = @transform_10, window_bounds = array<i64: 1, 128>}, {pipeline_mode = #tpu.pipeline_mode<synchronous>, transform_indices = @transform_11, window_bounds = array<i64: 1, 128>}, {pipeline_mode = #tpu.pipeline_mode<synchronous>, transform_indices = @transform_12, window_bounds = array<i64: 1, 128>}, {pipeline_mode = #tpu.pipeline_mode<synchronous>, transform_indices = @transform_13, window_bounds = array<i64: 1, 128>}, {transform_indices = @transform_14, window_bounds = array<i64: 1, 512, 128>}]} {
    %get3A = arith.constant 0 : index
    %get3A_0 = arith.constant 0 : index
    %get3A_1 = arith.constant 0 : index
    %get3A_2 = vector.load %arg4[%get3A, %get3A_0, %get3A_1] : memref<1x512x8xf32, #tpu.memory_space<vmem>>, vector<1x512x8xf32>
    %get3A_3 = vector.shape_cast %get3A_2 : vector<1x512x8xf32> to vector<512x8xf32>
    %get3A_4 = arith.constant 0 : index
    %get3A_5 = arith.constant 0 : index
    %get3A_6 = arith.constant 0 : index
    %get3A_7 = vector.load %arg5[%get3A_4, %get3A_5, %get3A_6] : memref<1x8x512xf32, #tpu.memory_space<vmem>>, vector<1x8x512xf32>
    %get3A_8 = vector.shape_cast %get3A_7 : vector<1x8x512xf32> to vector<8x512xf32>
    %slice3A = vector.extract_strided_slice %get3A_3 {offsets = [0, 0], sizes = [512, 1], strides = [1, 1]} : vector<512x8xf32> to vector<512x1xf32>
    %broadcast_in_dim3A = vector.shape_cast %slice3A : vector<512x1xf32> to vector<512x1xf32>
    %broadcast_in_dim3A_9 = vector.broadcast %broadcast_in_dim3A : vector<512x1xf32> to vector<512x512xf32>
    %slice3A_10 = vector.extract_strided_slice %get3A_3 {offsets = [0, 1], sizes = [512, 1], strides = [1, 1]} : vector<512x8xf32> to vector<512x1xf32>
    %broadcast_in_dim3A_11 = vector.shape_cast %slice3A_10 : vector<512x1xf32> to vector<512x1xf32>
    %broadcast_in_dim3A_12 = vector.broadcast %broadcast_in_dim3A_11 : vector<512x1xf32> to vector<512x512xf32>
    %slice3A_13 = vector.extract_strided_slice %get3A_8 {offsets = [0, 0], sizes = [1, 512], strides = [1, 1]} : vector<8x512xf32> to vector<1x512xf32>
    %broadcast_in_dim3A_14 = vector.shape_cast %slice3A_13 : vector<1x512xf32> to vector<1x512xf32>
    %broadcast_in_dim3A_15 = vector.broadcast %broadcast_in_dim3A_14 : vector<1x512xf32> to vector<512x512xf32>
    %slice3A_16 = vector.extract_strided_slice %get3A_8 {offsets = [1, 0], sizes = [1, 512], strides = [1, 1]} : vector<8x512xf32> to vector<1x512xf32>
    %broadcast_in_dim3A_17 = vector.shape_cast %slice3A_16 : vector<1x512xf32> to vector<1x512xf32>
    %broadcast_in_dim3A_18 = vector.broadcast %broadcast_in_dim3A_17 : vector<1x512xf32> to vector<512x512xf32>
    %sub3A = arith.subf %broadcast_in_dim3A_9, %broadcast_in_dim3A_15 : vector<512x512xf32>
    %sub3A_19 = arith.subf %broadcast_in_dim3A_12, %broadcast_in_dim3A_18 : vector<512x512xf32>
    %mul3A = arith.mulf %sub3A, %sub3A : vector<512x512xf32>
    %mul3A_20 = arith.mulf %sub3A_19, %sub3A_19 : vector<512x512xf32>
    %add3A = arith.addf %mul3A, %mul3A_20 : vector<512x512xf32>
    %slice3A_21 = vector.extract_strided_slice %get3A_3 {offsets = [0, 2], sizes = [512, 1], strides = [1, 1]} : vector<512x8xf32> to vector<512x1xf32>
    %broadcast_in_dim3A_22 = vector.shape_cast %slice3A_21 : vector<512x1xf32> to vector<512x1xf32>
    %broadcast_in_dim3A_23 = vector.broadcast %broadcast_in_dim3A_22 : vector<512x1xf32> to vector<512x512xf32>
    %le3A = arith.cmpf ole, %add3A, %broadcast_in_dim3A_23 : vector<512x512xf32>
    %get3A_24 = arith.constant 0 : index
    %get3A_25 = arith.constant 0 : index
    %get3A_26 = arith.constant 0 : index
    %get3A_27 = arith.constant 0 : index
    %get3A_28 = vector.load %arg3[%get3A_24, %get3A_25, %get3A_26, %get3A_27] : memref<1x1x512x128xf32, #tpu.memory_space<vmem>>, vector<1x1x512x128xf32>
    %get3A_29 = vector.shape_cast %get3A_28 : vector<1x1x512x128xf32> to vector<512x128xf32>
    %get3A_30 = arith.constant 0 : index
    %get3A_31 = arith.constant 0 : index
    %get3A_32 = vector.load %arg6[%get3A_30, %get3A_31] : memref<128x128xf32, #tpu.memory_space<vmem>>, vector<128x128xf32>
    %dot_general3A = arith.constant dense<0.000000e+00> : vector<512x128xf32>
    %dot_general3A_33 = tpu.matmul %get3A_29, %get3A_32, %dot_general3A {dimension_numbers = #tpu.dot_dimension_numbers<[1], [1], [0], [0], [0, 0, 1, 0], [], []>, transpose_lhs_hint = false} : vector<512x128xf32>, vector<128x128xf32>, vector<512x128xf32> -> vector<512x128xf32>
    %get3A_34 = arith.constant 0 : index
    %get3A_35 = arith.constant 0 : index
    %get3A_36 = vector.load %arg11[%get3A_34, %get3A_35] : memref<1x128xf32, #tpu.memory_space<vmem>>, vector<1x128xf32>
    %add3A_37 = vector.broadcast %get3A_36 : vector<1x128xf32> to vector<512x128xf32>
    %add3A_38 = arith.addf %dot_general3A_33, %add3A_37 : vector<512x128xf32>
    %get3A_39 = arith.constant 0 : index
    %get3A_40 = arith.constant 0 : index
    %get3A_41 = vector.load %arg7[%get3A_39, %get3A_40] : memref<128x128xf32, #tpu.memory_space<vmem>>, vector<128x128xf32>
    %dot_general3A_42 = arith.constant dense<0.000000e+00> : vector<512x128xf32>
    %dot_general3A_43 = tpu.matmul %add3A_38, %get3A_41, %dot_general3A_42 {dimension_numbers = #tpu.dot_dimension_numbers<[1], [0], [0], [1], [0, 0, 1, 1], [], []>, transpose_lhs_hint = false} : vector<512x128xf32>, vector<128x128xf32>, vector<512x128xf32> -> vector<512x128xf32>
    %convert_element_type3A = arith.truncf %dot_general3A_43 : vector<512x128xf32> to vector<512x128xbf16>
    %broadcast_in_dim3A_44 = arith.constant 0.000000e+00 : f32
    %broadcast_in_dim3A_45 = vector.broadcast %broadcast_in_dim3A_44 : f32 to vector<512x1xf32>
    %broadcast_in_dim3A_46 = arith.constant 0.000000e+00 : f32
    %broadcast_in_dim3A_47 = vector.broadcast %broadcast_in_dim3A_46 : f32 to vector<512x128xf32>
    %get3A_48 = arith.constant 0 : index
    %get3A_49 = arith.constant 0 : index
    %get3A_50 = arith.constant 0 : index
    %get3A_51 = arith.constant 0 : index
    %get3A_52 = vector.load %arg1[%get3A_48, %get3A_49, %get3A_50, %get3A_51] : memref<1x1x512x128xf32, #tpu.memory_space<vmem>>, vector<1x1x512x128xf32>
    %get3A_53 = vector.shape_cast %get3A_52 : vector<1x1x512x128xf32> to vector<512x128xf32>
    %convert_element_type3A_54 = arith.truncf %get3A_53 : vector<512x128xf32> to vector<512x128xbf16>
    %dot_general3A_55 = arith.constant dense<0.000000e+00> : vector<512x512xf32>
    %dot_general3A_56 = tpu.matmul %convert_element_type3A, %convert_element_type3A_54, %dot_general3A_55 {dimension_numbers = #tpu.dot_dimension_numbers<[1], [1], [0], [0], [0, 0, 1, 0], [], []>, transpose_lhs_hint = false} : vector<512x128xbf16>, vector<512x128xbf16>, vector<512x512xf32> -> vector<512x512xf32>
    %mul3A_57 = arith.constant 0.0883883461 : f32
    %mul3A_58 = vector.broadcast %mul3A_57 : f32 to vector<512x512xf32>
    %mul3A_59 = arith.mulf %dot_general3A_56, %mul3A_58 : vector<512x512xf32>
    %exp3A = math.exp %mul3A_59 : vector<512x512xf32>
    %jit3A = arith.constant 0.000000e+00 : f32
    %broadcast_in_dim3A_60 = vector.broadcast %jit3A : f32 to vector<512x512xf32>
    %select_n3A = arith.select %le3A, %exp3A, %broadcast_in_dim3A_60 : vector<512x512xi1>, vector<512x512xf32>
    %reduce_sum3A = arith.constant dense<0.000000e+00> : vector<512xf32>
    %reduce_sum3A_61 = vector.multi_reduction <add>, %select_n3A, %reduce_sum3A [1] : vector<512x512xf32> to vector<512xf32>
    %broadcast_in_dim3A_62 = vector.shape_cast %reduce_sum3A_61 : vector<512xf32> to vector<512x1xf32>
    %add3A_63 = arith.addf %broadcast_in_dim3A_45, %broadcast_in_dim3A_62 : vector<512x1xf32>
    %convert_element_type3A_64 = arith.truncf %select_n3A : vector<512x512xf32> to vector<512x512xbf16>
    %dot_general3A_65 = arith.constant dense<0.000000e+00> : vector<512x128xf32>
    %dot_general3A_66 = tpu.matmul %convert_element_type3A_64, %convert_element_type3A_54, %dot_general3A_65 {dimension_numbers = #tpu.dot_dimension_numbers<[1], [0], [0], [1], [0, 0, 1, 1], [], []>, transpose_lhs_hint = false} : vector<512x512xbf16>, vector<512x128xbf16>, vector<512x128xf32> -> vector<512x128xf32>
    %add3A_67 = arith.addf %broadcast_in_dim3A_47, %dot_general3A_66 : vector<512x128xf32>
    %get3A_68 = arith.constant 0 : index
    %get3A_69 = arith.constant 0 : index
    %get3A_70 = arith.constant 0 : index
    %get3A_71 = arith.constant 0 : index
    %get3A_72 = vector.load %arg2[%get3A_68, %get3A_69, %get3A_70, %get3A_71] : memref<1x1x512x128xf32, #tpu.memory_space<vmem>>, vector<1x1x512x128xf32>
    %get3A_73 = vector.shape_cast %get3A_72 : vector<1x1x512x128xf32> to vector<512x128xf32>
    %convert_element_type3A_74 = arith.truncf %get3A_73 : vector<512x128xf32> to vector<512x128xbf16>
    %dot_general3A_75 = arith.constant dense<0.000000e+00> : vector<512x512xf32>
    %dot_general3A_76 = tpu.matmul %convert_element_type3A, %convert_element_type3A_74, %dot_general3A_75 {dimension_numbers = #tpu.dot_dimension_numbers<[1], [1], [0], [0], [0, 0, 1, 0], [], []>, transpose_lhs_hint = false} : vector<512x128xbf16>, vector<512x128xbf16>, vector<512x512xf32> -> vector<512x512xf32>
    %mul3A_77 = arith.constant 0.0883883461 : f32
    %mul3A_78 = vector.broadcast %mul3A_77 : f32 to vector<512x512xf32>
    %mul3A_79 = arith.mulf %dot_general3A_76, %mul3A_78 : vector<512x512xf32>
    %exp3A_80 = math.exp %mul3A_79 : vector<512x512xf32>
    %jit3A_81 = arith.constant 0.000000e+00 : f32
    %broadcast_in_dim3A_82 = vector.broadcast %jit3A_81 : f32 to vector<512x512xf32>
    %select_n3A_83 = arith.select %le3A, %exp3A_80, %broadcast_in_dim3A_82 : vector<512x512xi1>, vector<512x512xf32>
    %reduce_sum3A_84 = arith.constant dense<0.000000e+00> : vector<512xf32>
    %reduce_sum3A_85 = vector.multi_reduction <add>, %select_n3A_83, %reduce_sum3A_84 [1] : vector<512x512xf32> to vector<512xf32>
    %broadcast_in_dim3A_86 = vector.shape_cast %reduce_sum3A_85 : vector<512xf32> to vector<512x1xf32>
    %add3A_87 = arith.addf %add3A_63, %broadcast_in_dim3A_86 : vector<512x1xf32>
    %convert_element_type3A_88 = arith.truncf %select_n3A_83 : vector<512x512xf32> to vector<512x512xbf16>
    %dot_general3A_89 = arith.constant dense<0.000000e+00> : vector<512x128xf32>
    %dot_general3A_90 = tpu.matmul %convert_element_type3A_88, %convert_element_type3A_74, %dot_general3A_89 {dimension_numbers = #tpu.dot_dimension_numbers<[1], [0], [0], [1], [0, 0, 1, 1], [], []>, transpose_lhs_hint = false} : vector<512x512xbf16>, vector<512x128xbf16>, vector<512x128xf32> -> vector<512x128xf32>
    %add3A_91 = arith.addf %add3A_67, %dot_general3A_90 : vector<512x128xf32>
    %get3A_92 = arith.constant 0 : index
    %get3A_93 = arith.constant 0 : index
    %get3A_94 = arith.constant 0 : index
    %get3A_95 = arith.constant 0 : index
    %get3A_96 = vector.load %arg3[%get3A_92, %get3A_93, %get3A_94, %get3A_95] : memref<1x1x512x128xf32, #tpu.memory_space<vmem>>, vector<1x1x512x128xf32>
    %get3A_97 = vector.shape_cast %get3A_96 : vector<1x1x512x128xf32> to vector<512x128xf32>
    %convert_element_type3A_98 = arith.truncf %get3A_97 : vector<512x128xf32> to vector<512x128xbf16>
    %dot_general3A_99 = arith.constant dense<0.000000e+00> : vector<512x512xf32>
    %dot_general3A_100 = tpu.matmul %convert_element_type3A, %convert_element_type3A_98, %dot_general3A_99 {dimension_numbers = #tpu.dot_dimension_numbers<[1], [1], [0], [0], [0, 0, 1, 0], [], []>, transpose_lhs_hint = false} : vector<512x128xbf16>, vector<512x128xbf16>, vector<512x512xf32> -> vector<512x512xf32>
    %mul3A_101 = arith.constant 0.0883883461 : f32
    %mul3A_102 = vector.broadcast %mul3A_101 : f32 to vector<512x512xf32>
    %mul3A_103 = arith.mulf %dot_general3A_100, %mul3A_102 : vector<512x512xf32>
    %exp3A_104 = math.exp %mul3A_103 : vector<512x512xf32>
    %jit3A_105 = arith.constant 0.000000e+00 : f32
    %broadcast_in_dim3A_106 = vector.broadcast %jit3A_105 : f32 to vector<512x512xf32>
    %select_n3A_107 = arith.select %le3A, %exp3A_104, %broadcast_in_dim3A_106 : vector<512x512xi1>, vector<512x512xf32>
    %reduce_sum3A_108 = arith.constant dense<0.000000e+00> : vector<512xf32>
    %reduce_sum3A_109 = vector.multi_reduction <add>, %select_n3A_107, %reduce_sum3A_108 [1] : vector<512x512xf32> to vector<512xf32>
    %broadcast_in_dim3A_110 = vector.shape_cast %reduce_sum3A_109 : vector<512xf32> to vector<512x1xf32>
    %add3A_111 = arith.addf %add3A_87, %broadcast_in_dim3A_110 : vector<512x1xf32>
    %convert_element_type3A_112 = arith.truncf %select_n3A_107 : vector<512x512xf32> to vector<512x512xbf16>
    %dot_general3A_113 = arith.constant dense<0.000000e+00> : vector<512x128xf32>
    %dot_general3A_114 = tpu.matmul %convert_element_type3A_112, %convert_element_type3A_98, %dot_general3A_113 {dimension_numbers = #tpu.dot_dimension_numbers<[1], [0], [0], [1], [0, 0, 1, 1], [], []>, transpose_lhs_hint = false} : vector<512x512xbf16>, vector<512x128xbf16>, vector<512x128xf32> -> vector<512x128xf32>
    %add3A_115 = arith.addf %add3A_91, %dot_general3A_114 : vector<512x128xf32>
    %div3A = vector.broadcast %add3A_111 : vector<512x1xf32> to vector<512x128xf32>
    %div3A_116 = arith.divf %add3A_115, %div3A : vector<512x128xf32>
    %get3A_117 = arith.constant 0 : index
    %get3A_118 = arith.constant 0 : index
    %get3A_119 = vector.load %arg8[%get3A_117, %get3A_118] : memref<128x128xf32, #tpu.memory_space<vmem>>, vector<128x128xf32>
    %dot_general3A_120 = arith.constant dense<0.000000e+00> : vector<512x128xf32>
    %dot_general3A_121 = tpu.matmul %div3A_116, %get3A_119, %dot_general3A_120 {dimension_numbers = #tpu.dot_dimension_numbers<[1], [1], [0], [0], [0, 0, 1, 0], [], []>, transpose_lhs_hint = false} : vector<512x128xf32>, vector<128x128xf32>, vector<512x128xf32> -> vector<512x128xf32>
    %get3A_122 = arith.constant 0 : index
    %get3A_123 = arith.constant 0 : index
    %get3A_124 = vector.load %arg12[%get3A_122, %get3A_123] : memref<1x128xf32, #tpu.memory_space<vmem>>, vector<1x128xf32>
    %add3A_125 = vector.broadcast %get3A_124 : vector<1x128xf32> to vector<512x128xf32>
    %add3A_126 = arith.addf %dot_general3A_121, %add3A_125 : vector<512x128xf32>
    %get3A_127 = arith.constant 0 : index
    %get3A_128 = arith.constant 0 : index
    %get3A_129 = vector.load %arg9[%get3A_127, %get3A_128] : memref<128x128xf32, #tpu.memory_space<vmem>>, vector<128x128xf32>
    %dot_general3A_130 = arith.constant dense<0.000000e+00> : vector<512x128xf32>
    %dot_general3A_131 = tpu.matmul %add3A_126, %get3A_129, %dot_general3A_130 {dimension_numbers = #tpu.dot_dimension_numbers<[1], [1], [0], [0], [0, 0, 1, 0], [], []>, transpose_lhs_hint = false} : vector<512x128xf32>, vector<128x128xf32>, vector<512x128xf32> -> vector<512x128xf32>
    %get3A_132 = arith.constant 0 : index
    %get3A_133 = arith.constant 0 : index
    %get3A_134 = vector.load %arg13[%get3A_132, %get3A_133] : memref<1x128xf32, #tpu.memory_space<vmem>>, vector<1x128xf32>
    %add3A_135 = vector.broadcast %get3A_134 : vector<1x128xf32> to vector<512x128xf32>
    %add3A_136 = arith.addf %dot_general3A_131, %add3A_135 : vector<512x128xf32>
    %mul3A_137 = arith.constant 5.000000e-01 : f32
    %mul3A_138 = vector.broadcast %mul3A_137 : f32 to vector<512x128xf32>
    %mul3A_139 = arith.mulf %mul3A_138, %add3A_136 : vector<512x128xf32>
    %mul3A_140 = arith.constant 4.471500e-02 : f32
    %mul3A_141 = vector.broadcast %mul3A_140 : f32 to vector<512x128xf32>
    %mul3A_142 = arith.mulf %mul3A_141, %add3A_136 : vector<512x128xf32>
    %mul3A_143 = arith.mulf %mul3A_142, %add3A_136 : vector<512x128xf32>
    %mul3A_144 = arith.mulf %mul3A_143, %add3A_136 : vector<512x128xf32>
    %add3A_145 = arith.addf %add3A_136, %mul3A_144 : vector<512x128xf32>
    %mul3A_146 = arith.constant 0.797884583 : f32
    %mul3A_147 = vector.broadcast %mul3A_146 : f32 to vector<512x128xf32>
    %mul3A_148 = arith.mulf %mul3A_147, %add3A_145 : vector<512x128xf32>
    %tanh3A = math.tanh %mul3A_148 : vector<512x128xf32>
    %add3A_149 = arith.constant 1.000000e+00 : f32
    %add3A_150 = vector.broadcast %add3A_149 : f32 to vector<512x128xf32>
    %add3A_151 = arith.addf %add3A_150, %tanh3A : vector<512x128xf32>
    %mul3A_152 = arith.mulf %mul3A_139, %add3A_151 : vector<512x128xf32>
    %get3A_153 = arith.constant 0 : index
    %get3A_154 = arith.constant 0 : index
    %get3A_155 = vector.load %arg10[%get3A_153, %get3A_154] : memref<128x128xf32, #tpu.memory_space<vmem>>, vector<128x128xf32>
    %dot_general3A_156 = arith.constant dense<0.000000e+00> : vector<512x128xf32>
    %dot_general3A_157 = tpu.matmul %mul3A_152, %get3A_155, %dot_general3A_156 {dimension_numbers = #tpu.dot_dimension_numbers<[1], [1], [0], [0], [0, 0, 1, 0], [], []>, transpose_lhs_hint = false} : vector<512x128xf32>, vector<128x128xf32>, vector<512x128xf32> -> vector<512x128xf32>
    %get3A_158 = arith.constant 0 : index
    %get3A_159 = arith.constant 0 : index
    %get3A_160 = vector.load %arg14[%get3A_158, %get3A_159] : memref<1x128xf32, #tpu.memory_space<vmem>>, vector<1x128xf32>
    %add3A_161 = vector.broadcast %get3A_160 : vector<1x128xf32> to vector<512x128xf32>
    %add3A_162 = arith.addf %dot_general3A_157, %add3A_161 : vector<512x128xf32>
    %swap3A = arith.constant 0 : index
    %swap3A_163 = arith.constant 0 : index
    %swap3A_164 = arith.constant 0 : index
    %swap3A_165 = vector.load %arg15[%swap3A, %swap3A_163, %swap3A_164] : memref<1x512x128xf32, #tpu.memory_space<vmem>>, vector<1x512x128xf32>
    %swap3A_166 = vector.shape_cast %swap3A_165 : vector<1x512x128xf32> to vector<512x128xf32>
    %swap3A_167 = vector.shape_cast %add3A_162 : vector<512x128xf32> to vector<1x512x128xf32>
    tpu.vector_store %arg15[%swap3A, %swap3A_163, %swap3A_164], %swap3A_167 {strides = array<i32>} : memref<1x512x128xf32, #tpu.memory_space<vmem>>, vector<1x512x128xf32>,
    return
  }
  func.func @transform_0(%arg0: i32) -> (i32, i32, i32, i32) {
    %c21_i32 = arith.constant 21 : i32
    %c0_i32 = arith.constant 0 : i32
    %c0_i32_0 = arith.constant 0 : i32
    %c0_i32_1 = arith.constant 0 : i32
    return %arg0, %c21_i32, %c0_i32, %c0_i32_0 : i32, i32, i32, i32
  }
  func.func @transform_1(%arg0: i32) -> (i32, i32, i32, i32) {
    %c22_i32 = arith.constant 22 : i32
    %c0_i32 = arith.constant 0 : i32
    %c0_i32_0 = arith.constant 0 : i32
    %c0_i32_1 = arith.constant 0 : i32
    return %arg0, %c22_i32, %c0_i32, %c0_i32_0 : i32, i32, i32, i32
  }
  func.func @transform_2(%arg0: i32) -> (i32, i32, i32, i32) {
    %c23_i32 = arith.constant 23 : i32
    %c0_i32 = arith.constant 0 : i32
    %c0_i32_0 = arith.constant 0 : i32
    %c0_i32_1 = arith.constant 0 : i32
    return %arg0, %c23_i32, %c0_i32, %c0_i32_0 : i32, i32, i32, i32
  }
  func.func @transform_3(%arg0: i32) -> (i32, i32, i32) {
    %c0_i32 = arith.constant 0 : i32
    %c0_i32_0 = arith.constant 0 : i32
    %c0_i32_1 = arith.constant 0 : i32
    return %arg0, %c0_i32, %c0_i32_0 : i32, i32, i32
  }
  func.func @transform_4(%arg0: i32) -> (i32, i32, i32) {
    %c0_i32 = arith.constant 0 : i32
    %c0_i32_0 = arith.constant 0 : i32
    %c0_i32_1 = arith.constant 0 : i32
    return %arg0, %c0_i32, %c0_i32_0 : i32, i32, i32
  }
  func.func @transform_5(%arg0: i32) -> (i32, i32) {
    %c0_i32 = arith.constant 0 : i32
    %c0_i32_0 = arith.constant 0 : i32
    %c0_i32_1 = arith.constant 0 : i32
    return %c0_i32, %c0_i32_0 : i32, i32
  }
  func.func @transform_6(%arg0: i32) -> (i32, i32) {
    %c0_i32 = arith.constant 0 : i32
    %c0_i32_0 = arith.constant 0 : i32
    %c0_i32_1 = arith.constant 0 : i32
    return %c0_i32, %c0_i32_0 : i32, i32
  }
  func.func @transform_7(%arg0: i32) -> (i32, i32) {
    %c0_i32 = arith.constant 0 : i32
    %c0_i32_0 = arith.constant 0 : i32
    %c0_i32_1 = arith.constant 0 : i32
    return %c0_i32, %c0_i32_0 : i32, i32
  }
  func.func @transform_8(%arg0: i32) -> (i32, i32) {
    %c0_i32 = arith.constant 0 : i32
    %c0_i32_0 = arith.constant 0 : i32
    %c0_i32_1 = arith.constant 0 : i32
    return %c0_i32, %c0_i32_0 : i32, i32
  }
  func.func @transform_9(%arg0: i32) -> (i32, i32) {
    %c0_i32 = arith.constant 0 : i32
    %c0_i32_0 = arith.constant 0 : i32
    %c0_i32_1 = arith.constant 0 : i32
    return %c0_i32, %c0_i32_0 : i32, i32
  }
  func.func @transform_10(%arg0: i32) -> (i32, i32) {
    %c0_i32 = arith.constant 0 : i32
    %c0_i32_0 = arith.constant 0 : i32
    %c0_i32_1 = arith.constant 0 : i32
    return %c0_i32, %c0_i32_0 : i32, i32
  }
  func.func @transform_11(%arg0: i32) -> (i32, i32) {
    %c0_i32 = arith.constant 0 : i32
    %c0_i32_0 = arith.constant 0 : i32
    %c0_i32_1 = arith.constant 0 : i32
    return %c0_i32, %c0_i32_0 : i32, i32
  }
  func.func @transform_12(%arg0: i32) -> (i32, i32) {
    %c0_i32 = arith.constant 0 : i32
    %c0_i32_0 = arith.constant 0 : i32
    %c0_i32_1 = arith.constant 0 : i32
    return %c0_i32, %c0_i32_0 : i32, i32
  }
  func.func @transform_13(%arg0: i32) -> (i32, i32) {
    %c0_i32 = arith.constant 0 : i32
    %c0_i32_0 = arith.constant 0 : i32
    %c0_i32_1 = arith.constant 0 : i32
    return %c0_i32, %c0_i32_0 : i32, i32
  }
  func.func @transform_14(%arg0: i32) -> (i32, i32, i32) {
    %c0_i32 = arith.constant 0 : i32
    %c0_i32_0 = arith.constant 0 : i32
    %c0_i32_1 = arith.constant 0 : i32
    return %arg0, %c0_i32, %c0_i32_0 : i32, i32, i32
  }
}

</mosaic_0001>

<sc_bundles>
// kernel: kernel.4.cloned.1.call-start
scs
__scs_entry_jumppad:
0x0: {  	(pc) =	sbr.rel $0x88, $3  }
0x1: {  	(tag) =	ssettag $0x0;
	lr =	simm.s32 $0x1  }
0x2: {  	[smem:$0x3F96] =	sst lr;
	_ =	strace $0xD0000000  }
0x3: {  	_ = 	snop  }
0x4: {  	_ = 	snop  }
0x5: {  	_ = 	snop  }
0x6: {  	_ = 	snop  }
0x7: {  	_ = 	snop  }
__scs_overlays_trampoline_lowered:
0x8: {  	[smem:$0x3FA5] =	sst s0  }
0x9: {  	[smem:$0x3FA6] =	sst s1  }
0xa: {  	[smem:$0x3FA7] =	sst s2  }
0xb: {  	[smem:$0x3FA8] =	sst s3  }
0xc: {  	[smem:$0x3FA9] =	sst s4  }
0xd: {  	[smem:$0x3FAA] =	sst s5  }
0xe: {  	[smem:$0x3FAB] =	sst s6  }
0xf: {  	[smem:$0x3FAC] =	sst s7  }
0x10: {  	[smem:$0x3FAD] =	sst s8  }
0x11: {  	[smem:$0x3FAE] =	sst s9;
	s0 =	simm.s32 @!p0 $0x0  }
0x12: {  	s1 =	sld [smem:$0x3F94];
	s0 =	simm.s32 @p0 $0x1  }
0x13: {  	[smem:$0x3FAF] =	sst s0;
	s0 =	simm.s32 @!p1 $0x0  }
0x14: {  	s2 =	sld [smem:$0x3F93];
	s0 =	simm.s32 @p1 $0x1  }
0x15: {  	[smem:$0x3FB0] =	sst s0;
	s0 =	simm.s32 @!p2 $0x0  }
0x16: {  	s3 =	sld [smem:$0x3FDB];
	s0 =	simm.s32 @p2 $0x1  }
0x17: {  	s4 =	simm.s32 $0x1BF5;
	[smem:$0x3FB2] =	sst s0  }
0x18: {  	s0 =	sld [smem:$0x3F95];
	_ =	swait.ge [sflag:s4], $0x0  }
0x19: {  	s7 =	sld [smem:$0x3F96]  }
0x1a: {  	s8 =	sadd.s32 $0xFFFFE003, lr  }
0x1b: {  	s9 =	sadd.s32 $0xFFFFFEF7, lr;
	s5 =	simm.s32 $0xFFFFFFFF;
	p2 =	slt.u32 s8, $0xFFFFF086  }
0x1c: {  	p1 =	slt.u32 s9, $0xF7A;
	s5 =	simm.s32 @!p2 $0x0  }
0x1d: {  	s5 =	simm.s32 @p1 $0x1;
	p0 =	seq.s32 s7, s2  }
0x1e: {  	s7 =	smul.u32 @!p0 $0xF7A, s2;
	p2 =	seq.s32 @!p0 s5, $0x0  }
0x1f: {  	s9 =	smul.u32 $0xF7A, s1;
	s8 =	simm.s32 @!p0 $0x1BF5;
	p2 =	por !p2, p0  }
0x20: {  	[sflag:s8] =	ssyncset.s32 @!p0 $0xFFFFF086;
	s6 =	sadd.s32 @!p0 s3, s7;
	s7 =	simm.s32 @!p0 $0x108  }
0x21: {  	s3 =	sadd.s32 s3, s9;
	s6 =	sadd.s32 @!p0 $0x88, s6;
	s7 =	simm.s32 @p2 $0x1082  }
0x22: {  	[simem:s7], [sflag:s8] =	dma.local @!p0 [hbm:s6], $0xF7A  }
0x23: {  	s9 =	sor.u32 $0xD0000000, s2;
	s6 =	simm.s32 $0x108;
	_ =	swait.ge @!p0 [sflag:s8], $0x0  }
0x24: {  	s3 =	sadd.s32 $0x88, s3;
	s6 =	simm.s32 @!p1 $0x1082;
	[sflag:s4] =	ssyncset.s32 $0xFFFFF086  }
0x25: {  	[simem:s6], [sflag:s4] =	dma.local [hbm:s3], $0xF7A  }
0x26: {  	[smem:$0x3F96] =	sst s1;
	(tag) =	ssettag s2;
	_ =	strace s9  }
0x27: {  	s1 =	sld [smem:$0x3FA6]  }
0x28: {  	s2 =	sld [smem:$0x3FA7]  }
0x29: {  	s4 =	sld [smem:$0x3FA9]  }
0x2a: {  	p0 =	seq.s32 s5, $0x0;
	s5 =	sld [smem:$0x3FAA]  }
0x2b: {  	s6 =	sld [smem:$0x3FAB]  }
0x2c: {  	s7 =	sld [smem:$0x3FAC]  }
0x2d: {  	s3 =	simm.s32 $0x108;
	s8 =	sld [smem:$0x3FAD]  }
0x2e: {  	s3 =	simm.s32 @!p0 $0x1082;
	s9 =	sld [smem:$0x3FAE]  }
0x2f: {  	lr =	sadd.s32 s0, s3;
	s0 =	sld [smem:$0x3FA5]  }
0x30: {  	s3 =	sld [smem:$0x3FA8]  }
0x31: {  	[smem:$0x3FB1] =	sst s10  }
0x32: {  	s10 =	sld [smem:$0x3FAF];
	_ =	sdelay $0x3  }
0x33: {  	p0 =	seq.s32 s10, $0x1;
	s10 =	sld [smem:$0x3FB1];
	_ =	sdelay $0x3  }
0x34: {  	[smem:$0x3FB1] =	sst s10  }
0x35: {  	s10 =	sld [smem:$0x3FB0];
	_ =	sdelay $0x3  }
0x36: {  	p1 =	seq.s32 s10, $0x1;
	s10 =	sld [smem:$0x3FB1];
	_ =	sdelay $0x3  }
0x37: {  	[smem:$0x3FB1] =	sst s10  }
0x38: {  	s10 =	sld [smem:$0x3FB2]  }
0x39: {  	_ = 	snop;
	(pc) =	sbr.ind lr, $3  }
0x3a: {  	_ = 	snop  }
0x3b: {  	_ = 	snop  }
0x3c: {  	p2 =	seq.s32 s10, $0x1;
	s10 =	sld [smem:$0x3FB1]  }
0x3d: {  	_ =	shalt  }
0x3e: {  	_ =	shalt  }
0x3f: {  	_ =	shalt  }
0x40: {  	_ =	shalt  }
0x41: {  	_ =	shalt  }
0x42: {  	_ =	shalt  }
0x43: {  	_ =	shalt  }
0x44: {  	_ =	shalt  }
0x45: {  	_ =	shalt  }
0x46: {  	_ =	shalt  }
0x47: {  	_ =	shalt  }
0x48: {  	_ =	shalt  }
0x49: {  	_ =	shalt  }
0x4a: {  	_ =	shalt  }
0x4b: {  	_ =	shalt  }
0x4c: {  	_ =	shalt  }
0x4d: {  	_ =	shalt  }
0x4e: {  	_ =	shalt  }
0x4f: {  	_ =	shalt  }
0x50: {  	_ =	shalt  }
0x51: {  	_ =	shalt  }
0x52: {  	_ =	shalt  }
0x53: {  	_ =	shalt  }
0x54: {  	_ =	shalt  }
0x55: {  	_ =	shalt  }
0x56: {  	_ =	shalt  }
0x57: {  	_ =	shalt  }
0x58: {  	_ =	shalt  }
0x59: {  	_ =	shalt  }
0x5a: {  	_ =	shalt  }
0x5b: {  	_ =	shalt  }
0x5c: {  	_ =	shalt  }
0x5d: {  	_ =	shalt  }
0x5e: {  	_ =	shalt  }
0x5f: {  	_ =	shalt  }
0x60: {  	_ =	shalt  }
0x61: {  	_ =	shalt  }
0x62: {  	_ =	shalt  }
0x63: {  	_ =	shalt  }
0x64: {  	_ =	shalt  }
0x65: {  	_ =	shalt  }
0x66: {  	_ =	shalt  }
0x67: {  	_ =	shalt  }
0x68: {  	_ =	shalt  }
0x69: {  	_ =	shalt  }
0x6a: {  	_ =	shalt  }
0x6b: {  	_ =	shalt  }
0x6c: {  	_ =	shalt  }
0x6d: {  	_ =	shalt  }
0x6e: {  	_ =	shalt  }
0x6f: {  	_ =	shalt  }
0x70: {  	_ =	shalt  }
0x71: {  	_ =	shalt  }
0x72: {  	_ =	shalt  }
0x73: {  	_ =	shalt  }
0x74: {  	_ =	shalt  }
0x75: {  	_ =	shalt  }
0x76: {  	_ =	shalt  }
0x77: {  	_ =	shalt  }
0x78: {  	_ =	shalt  }
0x79: {  	_ =	shalt  }
0x7a: {  	_ =	shalt  }
0x7b: {  	_ =	shalt  }
0x7c: {  	_ =	shalt  }
0x7d: {  	_ =	shalt  }
0x7e: {  	_ =	shalt  }
0x7f: {  	_ =	shalt  }
0x80: {  	_ =	shalt  }
0x81: {  	_ =	shalt  }
0x82: {  	_ =	shalt  }
0x83: {  	_ =	shalt  }
0x84: {  	_ =	shalt  }
0x85: {  	_ =	shalt  }
0x86: {  	_ =	shalt  }
0x87: {  	_ =	shalt  }
.Lfunc_end0:
.L_simem_size_0:
called_computation_lowered:
.L_overlay_start_0:
0x88: {  	s2 =	sld [smem:$0x3FD9]  }
0x89: {  	s3 =	sld [smem:$0x3FFE];
	_ =	sdelay $0x1  }
0x8a: {  	s1 =	srdreg.scid  }
0x8b: {  	s0 =	sand.u32 $0x1, s1  }
0x8c: {  	s17 =	sshll.u32 s0, $0xA;
	s2 =	sadd.s32 s3, s2  }
0x8d: {  	s2 =	sadd.s32 s2, s17  }
0x8e: {  	[smem:$0x3FBD] =	sst s2  }
0x8f: {  	_ = 	snop  }
0x90: {  	s2 =	sld [smem:$0x3FD0];
	(tm) =	ssettm $0x1  }
0x91: {  	s18 =	sld [smem:$0x3FFB];
	_ =	sdelay $0x3  }
0x92: {  	_ =	strace s18  }
0x93: {  	s3 =	sld [smem:$0x3FFC];
	_ =	sdelay $0x3  }
0x94: {  	_ =	strace s3  }
0x95: {  	s3 =	sld [smem:$0x3FFD];
	_ =	sdelay $0x3  }
0x96: {  	_ =	strace s3  }
0x97: {  	_ =	strace $0x8FFFFFFF  }
0x98: {  	s19 =	sld [smem:$0x3FDB];
	_ =	sdelay $0x1  }
0x99: {  	s4 =	simm.s32 $_scs_section_size  }
0x9a: {  	s5 =	simm.s32 $_size__tile_overlayer_lowered;
	s6 =	simm.s32 $_tile_overlayer_lowered  }
0x9b: {  	s22 =	simm.s32 $0x1BFF;
	s21 =	sshll.u32 s6, $0x1;
	s3 =	sadd.s32 s4, s19  }
0x9c: {  	s7 =	simm.s32 $0x0;
	s20 =	sshll.u32 s5, $0x1;
	s5 =	sadd.s32 s21, s3  }
0x9d: {  	[timem:s7], [sflag:s22] =	dma.local [hbm:s5], s20  }
0x9e: {  	_ =	swait.ge [sflag:s22], s20  }
0x9f: {  	s4 =	ssub.s32 $0x0, s20;
	[sflag:s22] =	ssyncset.done $0x0  }
0xa0: {  	[sflag:s22] =	ssyncadd.s32 s4;
	_ =	sdelay $0x1  }
0xa1: {  	s23 =	simm.s32 $0x1B8B  }
0xa2: {  	_ =	swait.ge [sflag:s23], $0x1  }
0xa3: {  	[sflag:s23] =	ssyncset.done $0x0  }
0xa4: {  	s25 =	simm.s32 $0x1B8E;
	s24 =	sld [smem:$0x3FFE];
	[sflag:s23] =	ssyncadd.s32 $0xFFFFFFFF  }
0xa5: {  	s26 =	simm.s32 $execute0_lowered;
	[smem:$0x3FD2] =	sst s25  }
0xa6: {  	s5 =	sshll.u32 s26, $0x1;
	_ =	strace $0x80000046;
	[dreg:$0x1] =	wrdreg $0xFFFFFFFF  }
0xa7: {  	s28 =	simm.s32 $_size_execute0_lowered;
	s3 =	sadd.s32 s3, s5;
	[dreg:$0x0] =	wrdreg $0x0  }
0xa8: {  	s5 =	sshll.u32 s28, $0x1;
	[dreg:$0x2] =	wrdreg s3  }
0xa9: {  	[dreg:$0x3] =	wrdreg s5  }
0xaa: {  	[dreg:$0x4] =	wrdreg $0xC0  }
0xab: {  	_ =	task [dreg:s7], $0x5FFFF  }
0xac: {  	[dreg:$0x1] =	wrdreg $0xFFFFFFFF  }
0xad: {  	[dreg:$0x0] =	wrdreg $0x60  }
0xae: {  	[dreg:$0x2] =	wrdreg s24  }
0xaf: {  	[dreg:$0x3] =	wrdreg s2  }
0xb0: {  	[dreg:$0x4] =	wrdreg $0x9  }
0xb1: {  	_ =	task.clear_ibuf [dreg:s7], $0x5FFFF;
	_ =	strace $0x90000046  }
0xb2: {  	s29 =	simm.s32 $0x9;
	_ =	strace $0x80000048  }
0xb3: {  	_ =	swait.ge [sflag:s29], $0x1  }
0xb4: {  	[sflag:s29] =	ssyncadd.s32 $0xFFFFFFFF  }
0xb5: {  	_ =	strace $0x90000048  }
0xb6: {  	_ =	sfence  }
0xb7: {  	s30 =	sld [smem:$0x0];
	_ =	sdelay $0x2  }
0xb8: {  	s31 =	sshll.u32 s1, $0xD;
	s1 =	sshrl.u32 s1, $0x2  }
0xb9: {  	s3 =	sand.u32 $0x4000, s31;
	s1 =	sadd.s32 s1, s30  }
0xba: {  	s0 =	sor.u32 s3, s0;
	s1 =	sshll.u32 s1, $0x11  }
0xbb: {  	s0 =	sor.u32 s1, s0  }
0xbc: {  	s0 =	sadd.s32 $0x8F2B, s0  }
0xbd: {  	[sflag:s0] =	ssyncadd.remote.s32 $0x1  }
0xbe: {  	_ =	sfence.sel $0xFFFF  }
0xbf: {  	[dreg:$0x0] =	wrdreg $0xFFFFFFFF;
	(pc) =	sbr.abs _section_cstart, $3  }
0xc0: {  	[dreg:$0x1] =	wrdreg $0xFFFFFFFF  }
0xc1: {  	_ =	task.clear_ibuf [dreg:s7], $0x2FFFF;
	_ =	strace $0x9FFFFFFF  }
0xc2: {  	(tm) =	ssettm $0x7FFFFFFF  }
0xc3: {  	_ =	shalt  }
tec
execute0_lowered:
.L_overlay_start_1:
0x0: {  	(tag) =	ssettag $0x1  }
0x1: {  	s3 =	rddreg [dreg:$0x0];
	s1 =	srdreg.scid  }
0x2: {  	s0 =	stileid.u32;
	s7 =	rddreg [dreg:$0x1];
	s2 =	simm.s32 $0x0  }
0x3: {  	s8 =	simm.s32 $0x1;
	s4 =	sand.u32 $0x1, s1;
	s5 =	sshll.u32 s0, $0x1  }
0x4: {  	s11 =	simm.s32 $0x200;
	s12 =	simm.s32 $0x400;
	s5 =	sor.u32 s4, s5  }
0x5: {  	s13 =	simm.s32 $0x600;
	p1 =	seq.s32 s4, $0x1;
	p0 =	seq.s32 s5, $0x0  }
0x6: {  	s14 =	simm.s32 $0x0;
	s1 =	rddreg [dreg:$0x2];
	p0 =	por !p0, !p1  }
0x7: {  	[smem:$0x7FF] =	sst s2;
	s6 =	sadd.s32 $0x1A00, s3;
	p0 =	por !p0, !p0  }
0x8: {  	v0 =	vimm.s32 $0x0;
	_ =	strace $0x80000047;
	s4 =	ssub.s32 $0x2, s4;
	s8 =	simm.s32 @!p0 $0x0  }
0x9: {  	v1 =	vimm.s32 $0x1;
	v2 =	vimm.s32 $0x2;
	v3 =	vimm.s32 $0x3;
	s5 =	sshll.u32 s5, $0x5;
	s31 =	sshrl.u32 s4, $0x1;
	s8 =	ssub.s32 s0, s8  }
0xa: {  	v4 =	vimm.s32 $0x4;
	v5 =	vimm.s32 $0x5;
	v6 =	vimm.s32 $0x6;
	s9 =	sadd.s32 s5, s3;
	s10 =	ssub.s32 s4, s31;
	s8 =	sshll.u32 s8, $0x6  }
0xb: {  	v7 =	vimm.s32 $0x7;
	v8 =	vimm.s32 $0x8;
	v9 =	vimm.s32 $0x9;
	s3 =	simm.s32 $0x1;
	s4 =	sadd.s32 s6, s5;
	s8 =	sand.u32 $0x1FFFFFC0, s8  }
0xc: {  	v10 =	vimm.s32 $0xA;
	v11 =	vimm.s32 $0xB;
	v12 =	vimm.s32 $0xC;
	s5 =	sadd.s32 s7, s5;
	s6 =	sadd.s32 s6, s8;
	s7 =	sadd.s32 s7, s8  }
0xd: {  	v13 =	vimm.s32 $0xD;
	v14 =	vimm.s32 $0xE;
	v15 =	vimm.s32 $0xF;
	s8 =	sadd.s32 $0x1E00, s9;
	s9 =	smax.u32 s10, $0x1;
	s10 =	simm.s32 $0x100  }
.LBB2_1:
0xe: {  	[tilespmem:s2], [sflag:$0x1] =	stream.linear.gather [hbm4b:s4+s2], $0x100, $0x38;
	[tilespmem:$0x700] =	vst v63  }
0xf: {  	_ =	swait.ge [sflag:s3], $0x100  }
0x10: {  	[sflag:s3] =	ssyncset.done $0x0  }
0x11: {  	[sflag:s3] =	ssyncadd.s32 $0xFFFFFF00  }
0x12: {  	[tilespmem:s10], [sflag:$0x1] =	stream.linear.gather [hbm4b:s5+s2], $0x100, $0x38;
	[tilespmem:$0x700] =	vst v63  }
0x13: {  	_ =	swait.ge [sflag:s3], $0x100  }
0x14: {  	[sflag:s3] =	ssyncset.done $0x0  }
0x15: {  	[sflag:s3] =	ssyncadd.s32 $0xFFFFFF00  }
0x16: {  	[tilespmem:s11], [sflag:$0x1] =	stream.linear.gather [hbm4b:s6+s2], $0x200, $0x38;
	[tilespmem:$0x700] =	vst v63  }
0x17: {  	_ =	swait.ge [sflag:s3], $0x200  }
0x18: {  	[sflag:s3] =	ssyncset.done $0x0  }
0x19: {  	[sflag:s3] =	ssyncadd.s32 $0xFFFFFE00  }
0x1a: {  	[tilespmem:s12], [sflag:$0x1] =	stream.linear.gather [hbm4b:s7+s2], $0x200, $0x38;
	[tilespmem:$0x700] =	vst v63  }
0x1b: {  	_ =	swait.ge [sflag:s3], $0x200  }
0x1c: {  	[sflag:s3] =	ssyncset.done $0x0  }
0x1d: {  	s15 =	simm.s32 $0x0;
	[sflag:s3] =	ssyncadd.s32 $0xFFFFFE00  }
.LBB2_2:
0x1e: {  	s16 =	sshll.u32 s15, $0x4;
	v20 =	vimm.f32 $3.000000010e+38;
	v21 =	vimm.f32 $3.000000010e+38  }
0x1f: {  	v22 =	vimm.f32 $3.000000010e+38;
	v23 =	vimm.f32 $3.000000010e+38;
	v24 =	vimm.f32 $3.000000010e+38;
	v16 =	vld [tilespmem:s16+$0x0]  }
0x20: {  	s17 =	simm.s32 $0x0;
	v25 =	vimm.f32 $3.000000010e+38;
	v26 =	vimm.f32 $3.000000010e+38;
	v27 =	vimm.f32 $3.000000010e+38;
	v17 =	vld [tilespmem:s16+$0x100]  }
.LBB2_3:
0x21: {  	s18 =	sshra.s32 s17, $0x2  }
0x22: {  	v18 =	vld [tilespmem:s18+$0x200]  }
0x23: {  	v19 =	vld [tilespmem:s18+$0x400];
	_ =	sdelay $0x3  }
0x24: {  	v28 =	vperm.xlane v18, v0  }
0x25: {  	v29 =	vperm.xlane v19, v0;
	v30 =	vperm.xlane v19, v1  }
0x26: {  	v54 =	vperm.xlane v18, v2;
	v55 =	vperm.xlane v19, v2  }
0x27: {  	v58 =	vperm.xlane v19, v3;
	v59 =	vperm.xlane v18, v4  }
0x28: {  	v60 =	vperm.xlane v19, v4;
	v62 =	vperm.xlane v18, v5  }
0x29: {  	v63 =	vperm.xlane v19, v5;
	v34 =	vperm.xlane v18, v6  }
0x2a: {  	v35 =	vperm.xlane v19, v6;
	v37 =	vperm.xlane v18, v7  }
0x2b: {  	v38 =	vperm.xlane v19, v7;
	v41 =	vperm.xlane v18, v8  }
0x2c: {  	v42 =	vperm.xlane v19, v8;
	v28 =	vsub.f32 v16, v28;
	v29 =	vsub.f32 v17, v29  }
0x2d: {  	v45 =	vperm.xlane v19, v9;
	v46 =	vperm.xlane v18, v10  }
0x2e: {  	v28 =	vmul.f32 v28, v28;
	v29 =	vmul.f32 v29, v29  }
0x2f: {  	v47 =	vperm.xlane v19, v10;
	v49 =	vperm.xlane v18, v11;
	v30 =	vsub.f32 v17, v30  }
0x30: {  	v50 =	vperm.xlane v19, v11;
	v28 =	vadd.f32 v29, v28;
	v29 =	vperm.xlane v18, v1  }
0x31: {  	v51 =	vperm.xlane v18, v12;
	v30 =	vmul.f32 v30, v30  }
0x32: {  	v31 =	vmax.f32 v27, v28;
	v29 =	vsub.f32 v16, v29;
	v27 =	vmin.f32 v27, v28  }
0x33: {  	v32 =	vmax.f32 v26, v31;
	v26 =	vmin.f32 v26, v31;
	v31 =	vsub.f32 v16, v54  }
0x34: {  	v54 =	vperm.xlane v18, v13;
	v28 =	vmax.f32 v25, v32;
	v29 =	vmul.f32 v29, v29  }
0x35: {  	v25 =	vmin.f32 v25, v32;
	v32 =	vsub.f32 v17, v55;
	v55 =	vperm.xlane v19, v13  }
0x36: {  	v52 =	vmax.f32 v24, v28;
	v24 =	vmin.f32 v24, v28;
	v31 =	vmul.f32 v31, v31  }
0x37: {  	v28 =	vmax.f32 v23, v52;
	v23 =	vmin.f32 v23, v52;
	v29 =	vadd.f32 v30, v29  }
0x38: {  	v32 =	vmul.f32 v32, v32;
	v53 =	vmax.f32 v22, v28;
	v22 =	vmin.f32 v22, v28  }
0x39: {  	v28 =	vmin.f32 v21, v53;
	v21 =	vmax.f32 v21, v53;
	v30 =	vmax.f32 v27, v29  }
0x3a: {  	v20 =	vmin.f32 v20, v21;
	v21 =	vmin.f32 v27, v29;
	v27 =	vmax.f32 v26, v30  }
0x3b: {  	v52 =	vperm.xlane v19, v12;
	v57 =	vadd.f32 v32, v31;
	v29 =	vmax.f32 v25, v27  }
0x3c: {  	v31 =	vsub.f32 v17, v58;
	v25 =	vmin.f32 v25, v27;
	v27 =	vmax.f32 v24, v29  }
0x3d: {  	v32 =	vsub.f32 v17, v60;
	v26 =	vmin.f32 v26, v30;
	v56 =	vmax.f32 v23, v27  }
0x3e: {  	v24 =	vmin.f32 v24, v29;
	v23 =	vmin.f32 v23, v27;
	v27 =	vmax.f32 v22, v56  }
0x3f: {  	v29 =	vmin.f32 v28, v27;
	v27 =	vmax.f32 v28, v27;
	v28 =	vperm.xlane v18, v3  }
0x40: {  	v20 =	vmin.f32 v20, v27;
	v27 =	vmin.f32 v21, v57;
	v21 =	vmax.f32 v21, v57  }
0x41: {  	v31 =	vmul.f32 v31, v31;
	v30 =	vmax.f32 v26, v21;
	v28 =	vsub.f32 v16, v28  }
0x42: {  	v21 =	vmin.f32 v26, v21;
	v26 =	vmin.f32 v25, v30;
	v25 =	vmax.f32 v25, v30  }
0x43: {  	v22 =	vmin.f32 v22, v56;
	v30 =	vmax.f32 v24, v25;
	v28 =	vmul.f32 v28, v28  }
0x44: {  	v24 =	vmin.f32 v24, v25;
	v25 =	vmin.f32 v23, v30;
	v23 =	vmax.f32 v23, v30  }
0x45: {  	v58 =	vperm.xlane v18, v14;
	v32 =	vmul.f32 v32, v32;
	v30 =	vmin.f32 v22, v23  }
0x46: {  	v22 =	vmax.f32 v22, v23;
	v23 =	vadd.f32 v31, v28;
	v31 =	vsub.f32 v16, v59  }
0x47: {  	v59 =	vperm.xlane v19, v14;
	v19 =	vperm.xlane v19, v15;
	v28 =	vmax.f32 v29, v22  }
0x48: {  	v22 =	vmin.f32 v29, v22;
	v20 =	vmin.f32 v20, v28;
	v28 =	vmax.f32 v27, v23  }
0x49: {  	v23 =	vmin.f32 v27, v23;
	v31 =	vmul.f32 v31, v31;
	v29 =	vmax.f32 v21, v28  }
0x4a: {  	v21 =	vmin.f32 v21, v28;
	v27 =	vmax.f32 v26, v29;
	v26 =	vmin.f32 v26, v29  }
0x4b: {  	v29 =	vadd.f32 v32, v31;
	v31 =	vsub.f32 v16, v62;
	v28 =	vmax.f32 v24, v27  }
0x4c: {  	v32 =	vsub.f32 v17, v63;
	v24 =	vmin.f32 v24, v27;
	v27 =	vmax.f32 v25, v28  }
0x4d: {  	v25 =	vmin.f32 v25, v28;
	v31 =	vmul.f32 v31, v31;
	v28 =	vmax.f32 v30, v27  }
0x4e: {  	v61 =	vmin.f32 v22, v28;
	v22 =	vmax.f32 v22, v28;
	v28 =	vmax.f32 v23, v29  }
0x4f: {  	v20 =	vmin.f32 v20, v22;
	v22 =	vmin.f32 v23, v29;
	v23 =	vmax.f32 v21, v28  }
0x50: {  	v32 =	vmul.f32 v32, v32;
	v27 =	vmin.f32 v30, v27;
	v29 =	vmax.f32 v26, v23  }
0x51: {  	v30 =	vsub.f32 v16, v34;
	v23 =	vmin.f32 v26, v23;
	v26 =	vmax.f32 v24, v29  }
0x52: {  	v21 =	vmin.f32 v21, v28;
	v24 =	vmin.f32 v24, v29;
	v28 =	vmax.f32 v25, v26  }
0x53: {  	v29 =	vadd.f32 v32, v31;
	v25 =	vmin.f32 v25, v26;
	v26 =	vmax.f32 v27, v28  }
0x54: {  	v27 =	vmin.f32 v27, v28;
	v28 =	vmin.f32 v61, v26;
	v26 =	vmax.f32 v61, v26  }
0x55: {  	v20 =	vmin.f32 v20, v26;
	v26 =	vmin.f32 v22, v29;
	v22 =	vmax.f32 v22, v29  }
0x56: {  	v30 =	vmul.f32 v30, v30;
	v31 =	vsub.f32 v17, v35;
	v29 =	vmax.f32 v21, v22  }
0x57: {  	v21 =	vmin.f32 v21, v22;
	v22 =	vmin.f32 v23, v29;
	v23 =	vmax.f32 v23, v29  }
0x58: {  	v32 =	vsub.f32 v17, v38;
	v31 =	vmul.f32 v31, v31;
	v29 =	vmax.f32 v24, v23  }
0x59: {  	v23 =	vmin.f32 v24, v23;
	v24 =	vmin.f32 v25, v29;
	v25 =	vmax.f32 v25, v29  }
0x5a: {  	v29 =	vmin.f32 v27, v25;
	v25 =	vmax.f32 v27, v25;
	v27 =	vadd.f32 v31, v30  }
0x5b: {  	v19 =	vsub.f32 v17, v19;
	v32 =	vmul.f32 v32, v32;
	v31 =	vsub.f32 v16, v37  }
0x5c: {  	v36 =	vmax.f32 v28, v25;
	v25 =	vmin.f32 v28, v25;
	v28 =	vmax.f32 v26, v27  }
0x5d: {  	v20 =	vmin.f32 v20, v36;
	v31 =	vmul.f32 v31, v31;
	v39 =	vmax.f32 v21, v28  }
0x5e: {  	v26 =	vmin.f32 v26, v27;
	v21 =	vmin.f32 v21, v28;
	v27 =	vmax.f32 v22, v39  }
0x5f: {  	v22 =	vmin.f32 v22, v39;
	v40 =	vadd.f32 v32, v31;
	v31 =	vsub.f32 v16, v41  }
0x60: {  	v32 =	vsub.f32 v17, v42;
	v28 =	vmax.f32 v23, v27;
	v23 =	vmin.f32 v23, v27  }
0x61: {  	v27 =	vmax.f32 v24, v28;
	v24 =	vmin.f32 v24, v28;
	v31 =	vmul.f32 v31, v31  }
0x62: {  	v32 =	vmul.f32 v32, v32;
	v28 =	vmax.f32 v29, v27;
	v27 =	vmin.f32 v29, v27  }
0x63: {  	v29 =	vmin.f32 v25, v28;
	v25 =	vmax.f32 v25, v28;
	v28 =	vmax.f32 v26, v40  }
0x64: {  	v20 =	vmin.f32 v20, v25;
	v25 =	vmin.f32 v26, v40;
	v26 =	vmax.f32 v21, v28  }
0x65: {  	v44 =	vadd.f32 v32, v31;
	v31 =	vsub.f32 v17, v45;
	v43 =	vmax.f32 v22, v26  }
0x66: {  	v32 =	vsub.f32 v17, v47;
	v22 =	vmin.f32 v22, v26;
	v26 =	vmax.f32 v23, v43  }
0x67: {  	v21 =	vmin.f32 v21, v28;
	v31 =	vmul.f32 v31, v31;
	v28 =	vmax.f32 v24, v26  }
0x68: {  	v24 =	vmin.f32 v24, v26;
	v26 =	vmax.f32 v27, v28;
	v27 =	vmin.f32 v27, v28  }
0x69: {  	v28 =	vmin.f32 v29, v26;
	v26 =	vmax.f32 v29, v26;
	v29 =	vperm.xlane v18, v9  }
0x6a: {  	v20 =	vmin.f32 v20, v26;
	v26 =	vmin.f32 v25, v44;
	v25 =	vmax.f32 v25, v44  }
0x6b: {  	v23 =	vmin.f32 v23, v43;
	v30 =	vmax.f32 v21, v25;
	v29 =	vsub.f32 v16, v29  }
0x6c: {  	v21 =	vmin.f32 v21, v25;
	v25 =	vmin.f32 v22, v30;
	v22 =	vmax.f32 v22, v30  }
0x6d: {  	v32 =	vmul.f32 v32, v32;
	v30 =	vmax.f32 v23, v22;
	v29 =	vmul.f32 v29, v29  }
0x6e: {  	v22 =	vmin.f32 v23, v22;
	v23 =	vmin.f32 v24, v30;
	v24 =	vmax.f32 v24, v30  }
0x6f: {  	v30 =	vmin.f32 v27, v24;
	v24 =	vmax.f32 v27, v24;
	v27 =	vadd.f32 v31, v29  }
0x70: {  	v18 =	vperm.xlane v18, v15;
	v31 =	vsub.f32 v16, v46;
	v29 =	vmax.f32 v28, v24  }
0x71: {  	v24 =	vmin.f32 v28, v24;
	v20 =	vmin.f32 v20, v29;
	v28 =	vmax.f32 v26, v27  }
0x72: {  	v26 =	vmin.f32 v26, v27;
	v31 =	vmul.f32 v31, v31;
	v29 =	vmax.f32 v21, v28  }
0x73: {  	v21 =	vmin.f32 v21, v28;
	v27 =	vmax.f32 v25, v29;
	v25 =	vmin.f32 v25, v29  }
0x74: {  	v29 =	vadd.f32 v32, v31;
	v31 =	vsub.f32 v16, v49;
	v28 =	vmax.f32 v22, v27  }
0x75: {  	v32 =	vsub.f32 v17, v50;
	v22 =	vmin.f32 v22, v27;
	v27 =	vmax.f32 v23, v28  }
0x76: {  	v23 =	vmin.f32 v23, v28;
	v31 =	vmul.f32 v31, v31;
	v28 =	vmax.f32 v30, v27  }
0x77: {  	v48 =	vmin.f32 v24, v28;
	v24 =	vmax.f32 v24, v28;
	v28 =	vmax.f32 v26, v29  }
0x78: {  	v20 =	vmin.f32 v20, v24;
	v24 =	vmin.f32 v26, v29;
	v26 =	vmax.f32 v21, v28  }
0x79: {  	v32 =	vmul.f32 v32, v32;
	v27 =	vmin.f32 v30, v27;
	v29 =	vmax.f32 v25, v26  }
0x7a: {  	v30 =	vsub.f32 v16, v51;
	v25 =	vmin.f32 v25, v26;
	v26 =	vmax.f32 v22, v29  }
0x7b: {  	v21 =	vmin.f32 v21, v28;
	v22 =	vmin.f32 v22, v29;
	v28 =	vmax.f32 v23, v26  }
0x7c: {  	v29 =	vadd.f32 v32, v31;
	v23 =	vmin.f32 v23, v26;
	v26 =	vmax.f32 v27, v28  }
0x7d: {  	v27 =	vmin.f32 v27, v28;
	v28 =	vmin.f32 v48, v26;
	v26 =	vmax.f32 v48, v26  }
0x7e: {  	v20 =	vmin.f32 v20, v26;
	v26 =	vmin.f32 v24, v29;
	v24 =	vmax.f32 v24, v29  }
0x7f: {  	v30 =	vmul.f32 v30, v30;
	v31 =	vsub.f32 v17, v52;
	v29 =	vmax.f32 v21, v24  }
0x80: {  	v21 =	vmin.f32 v21, v24;
	v24 =	vmin.f32 v25, v29;
	v25 =	vmax.f32 v25, v29  }
0x81: {  	v32 =	vsub.f32 v17, v55;
	v31 =	vmul.f32 v31, v31;
	v29 =	vmax.f32 v22, v25  }
0x82: {  	v22 =	vmin.f32 v22, v25;
	v25 =	vmin.f32 v23, v29;
	v23 =	vmax.f32 v23, v29  }
0x83: {  	v29 =	vmin.f32 v27, v23;
	v23 =	vmax.f32 v27, v23;
	v27 =	vadd.f32 v31, v30  }
0x84: {  	v19 =	vmul.f32 v19, v19;
	v18 =	vsub.f32 v16, v18;
	v32 =	vmul.f32 v32, v32  }
0x85: {  	v53 =	vmax.f32 v28, v23;
	v23 =	vmin.f32 v28, v23;
	v28 =	vmax.f32 v26, v27  }
0x86: {  	v31 =	vsub.f32 v16, v54;
	v30 =	vsub.f32 v16, v58;
	v56 =	vmax.f32 v21, v28  }
0x87: {  	v20 =	vmin.f32 v20, v53;
	v26 =	vmin.f32 v26, v27;
	v27 =	vmax.f32 v24, v56  }
0x88: {  	v31 =	vmul.f32 v31, v31;
	v21 =	vmin.f32 v21, v28;
	v28 =	vmax.f32 v22, v27  }
0x89: {  	v30 =	vmul.f32 v30, v30;
	v22 =	vmin.f32 v22, v27;
	v27 =	vmax.f32 v25, v28  }
0x8a: {  	v57 =	vadd.f32 v32, v31;
	v25 =	vmin.f32 v25, v28;
	v28 =	vmax.f32 v29, v27  }
0x8b: {  	v27 =	vmin.f32 v29, v27;
	v29 =	vmin.f32 v23, v28;
	v23 =	vmax.f32 v23, v28  }
0x8c: {  	v20 =	vmin.f32 v20, v23;
	v23 =	vmin.f32 v26, v57;
	v26 =	vmax.f32 v26, v57  }
0x8d: {  	v24 =	vmin.f32 v24, v56;
	v31 =	vsub.f32 v17, v59;
	v28 =	vmax.f32 v21, v26  }
0x8e: {  	v21 =	vmin.f32 v21, v26;
	v26 =	vmin.f32 v24, v28;
	v24 =	vmax.f32 v24, v28  }
0x8f: {  	v31 =	vmul.f32 v31, v31;
	v28 =	vmin.f32 v22, v24;
	v22 =	vmax.f32 v22, v24  }
0x90: {  	v18 =	vmul.f32 v18, v18;
	v24 =	vmin.f32 v25, v22;
	v22 =	vmax.f32 v25, v22  }
0x91: {  	v25 =	vmin.f32 v27, v22;
	v22 =	vmax.f32 v27, v22;
	v27 =	vadd.f32 v31, v30  }
0x92: {  	v18 =	vadd.f32 v19, v18  }
0x93: {  	v60 =	vmax.f32 v29, v22;
	v22 =	vmin.f32 v29, v22;
	v29 =	vmax.f32 v23, v27  }
0x94: {  	v20 =	vmin.f32 v20, v60;
	v23 =	vmin.f32 v23, v27;
	v27 =	vmax.f32 v21, v29  }
0x95: {  	v19 =	vmin.f32 v21, v29;
	v21 =	vmin.f32 v26, v27;
	v26 =	vmax.f32 v26, v27  }
0x96: {  	v29 =	vmin.f32 v28, v26;
	v26 =	vmax.f32 v28, v26;
	v28 =	vmax.f32 v23, v18  }
0x97: {  	v27 =	vmin.f32 v23, v18;
	v61 =	vmin.f32 v24, v26;
	v62 =	vmax.f32 v19, v28  }
0x98: {  	p0 =	sne.s32 s17, $0x7C0;
	v24 =	vmax.f32 v24, v26;
	v26 =	vmin.f32 v19, v28;
	v33 =	vmax.f32 v21, v62  }
.Ltmp0:
0x99: {  	v63 =	vmin.f32 v25, v24;
	v24 =	vmax.f32 v25, v24;
	v35 =	vmax.f32 v29, v33;
	(pc) =	sbr.rel @p0 .LBB2_3-.Ltmp0, $4  }
0x9a: {  	v25 =	vmin.f32 v21, v62;
	v34 =	vmin.f32 v22, v24;
	v18 =	vmax.f32 v61, v35  }
0x9b: {  	v22 =	vmax.f32 v22, v24;
	v24 =	vmin.f32 v29, v33;
	v19 =	vmax.f32 v63, v18  }
0x9c: {  	v20 =	vmin.f32 v20, v22;
	v23 =	vmin.f32 v61, v35;
	v28 =	vmax.f32 v34, v19  }
0x9d: {  	s17 =	sadd.s32 $0x40, s17;
	v22 =	vmin.f32 v63, v18;
	v21 =	vmin.f32 v34, v19;
	v20 =	vmin.f32 v20, v28  }
0x9e: {  	s15 =	sadd.s32 $0x1, s15  }
0x9f: {  	p0 =	sne.s32 s15, $0x10  }
.Ltmp1:
0xa0: {  	_ = 	snop;
	(pc) =	sbr.rel @p0 .LBB2_2-.Ltmp1, $2  }
0xa1: {  	_ =	sdelay $0x2  }
0xa2: {  	[tilespmem:s16+$0x600] =	vst v20  }
0xa3: {  	s14 =	sadd.s32 $0x1, s14  }
0xa4: {  	p0 =	sne.s32 s14, s9  }
.Ltmp2:
0xa5: {  	_ = 	snop;
	(pc) =	sbr.rel @p0 .LBB2_1-.Ltmp2, $4  }
0xa6: {  	[hbm4b:s8+s2] =	stream.linear.scatter [tilespmem:s13], [sflag:$0x1], $0x100, $0x38;
	[tilespmem:$0x700] =	vst v63  }
0xa7: {  	_ =	swait.ge [sflag:s3], $0x100  }
0xa8: {  	[sflag:s3] =	ssyncset.done $0x0  }
0xa9: {  	[sflag:s3] =	ssyncadd.s32 $0xFFFFFF00  }
0xaa: {  	_ =	sfence.sel $0x180000  }
0xab: {  	[bflag:$0x0] =	sbarrier.arrive $0xFFFF  }
0xac: {  	p0 =	sne.s32 s0, $0x0;
	_ =	strace $0x90000047  }
0xad: {  	s0 =	sadd.s32 @!p0 $0x100000, s1;
	[bflag:$0x2] =	sbarrier.arrive $0xFFFF  }
0xae: {  	[sflag:s0] =	ssyncadd.tile.s32 @!p0 $0x1;
	_ =	shalt  }
.Lfunc_end2:
_tile_overlayer_lowered:
.L_overlay_start_2:
0xaf: {  	(tag) =	ssettag $0x2  }
0xb0: {  	s0 =	rddreg [dreg:$0x0];
	s2 =	stileid.u32  }
0xb1: {  	s1 =	rddreg [dreg:$0x1];
	p0 =	sne.s32 s2, $0x0  }
0xb2: {  	s3 =	rddreg [dreg:$0x2];
	[bflag:$0x3] =	sbarrier.arrive $0xFFFF;
	s2 =	simm.s32 @!p0 $0x1C01  }
0xb3: {  	[timem:s3], [sflag:s2] =	dma.local @!p0 [hbm:s0], s1  }
0xb4: {  	s0 =	simm.s32 @!p0 $0x1  }
0xb5: {  	_ =	swait.ge @!p0 [sflag:s0], s1  }
0xb6: {  	s1 =	ssub.s32 @!p0 $0x0, s1;
	[sflag:s0] =	ssyncset.done @!p0 $0x0  }
0xb7: {  	[sflag:s0] =	ssyncadd.s32 @!p0 s1  }
0xb8: {  	[bflag:$0x3] =	sbarrier.arrive $0xFFFF  }
0xb9: {  	_ =	shalt  }

</sc_bundles>
